<compile_context>
chip_gen: v7x
topology: tpu7x:2x2x1
jax: 0.10.2.dev20260603
libtpu: 0.0.44.dev20260713+nightly
codegen_flags: <defaults>
</compile_context>

<pallas_src>
import functools

import jax
import jax.numpy as jnp
from jax import lax
from jax.experimental import pallas as pl
from jax.experimental.pallas import tpu as pltpu
from jax.experimental.pallas import tpu_sc as plsc

_N = 10000
_E = 160000
_NW = 32
_EP = _E // _NW
_EPP = 5120
_CH = 512
_NCH = _EPP // _CH
_NP = 10240
_RPT = _NP // 16
_DUMMY = _N
_HISTW = 16
_HISTR = 640


def _mesh():
    return plsc.VectorSubcoreMesh(core_axis_name="c", subcore_axis_name="s")


@functools.lru_cache(maxsize=None)
def _sc_pre():
    def body(ei, rowpad, colpad, hist, row_v, col_v, hist_v):
        c = lax.axis_index("c")
        s = lax.axis_index("s")
        wid = c * 16 + s
        base = wid * _EP
        iota16 = lax.iota(jnp.int32, 16)
        zi = iota16 * 0
        zf = zi.astype(jnp.float32)
        ones = zf + 1.0

        def zh(i, carry):
            hist_v[pl.ds(i * 16, 16)] = zf
            return carry
        lax.fori_loop(0, _HISTR, zh, 0)

        pltpu.sync_copy(ei.at[pl.ds(base, _EP)], row_v.at[pl.ds(0, _EP)])
        pltpu.sync_copy(ei.at[pl.ds(_E + base, _EP)], col_v.at[pl.ds(0, _EP)])
        for k in range(7):
            row_v[pl.ds(_EP + 16 * k, 16)] = zi
            col_v[pl.ds(_EP + 16 * k, 16)] = zi
        row_v[pl.ds(_EPP - 16, 16)] = zi
        col_v[pl.ds(_EPP - 16, 16)] = zi

        def eb(j, carry):
            off = j * 16
            r = row_v[pl.ds(off, 16)]
            cc = col_v[pl.ds(off, 16)]
            self_ = r == cc
            col_v[pl.ds(off, 16)] = jnp.where(self_, _DUMMY, cc)
            di = jnp.where(self_, _HISTR * _HISTW - 1, r)
            plsc.addupdate_scatter(hist_v, [di], ones)
            return carry
        lax.fori_loop(0, _EPP // 16, eb, 0)

        pltpu.sync_copy(row_v, rowpad.at[pl.ds(wid * _EPP, _EPP)])
        pltpu.sync_copy(col_v, colpad.at[pl.ds(wid * _EPP, _EPP)])
        pltpu.sync_copy(hist_v, hist.at[wid])

    return pl.kernel(
        body,
        out_type=(
            jax.ShapeDtypeStruct((_NW * _EPP,), jnp.int32),
            jax.ShapeDtypeStruct((_NW * _EPP,), jnp.int32),
            jax.ShapeDtypeStruct((_NW, _HISTR * _HISTW), jnp.float32),
        ),
        mesh=_mesh(),
        scratch_types=[
            pltpu.VMEM((_EPP,), jnp.int32),
            pltpu.VMEM((_EPP,), jnp.int32),
            pltpu.VMEM((_HISTR * _HISTW,), jnp.float32),
        ],
        compiler_params=pltpu.CompilerParams(needs_layout_passes=False),
    )


@functools.lru_cache(maxsize=None)
def _sc_edge(D):

    def body(z, rowi, coli, t_out, ri_v, ci_v, g0, g1, g2, g3, zb_v, t_sh,
             sg0, sg1, sg2, sg3, ss0, ss1, ss2, ss3):
        c = lax.axis_index("c")
        s = lax.axis_index("s")
        wid = c * 16 + s
        zf = lax.iota(jnp.int32, 16).astype(jnp.float32) * 0.0

        pltpu.async_copy(rowi.at[pl.ds(wid * _NCH, _NCH)], ri_v, sg0)
        pltpu.async_copy(coli.at[pl.ds(wid * _NCH, _NCH)], ci_v, sg1)

        def zb(i, carry):
            for k in range(D // 16):
                zb_v[i, pl.ds(16 * k, 16)] = zf
            return carry
        lax.fori_loop(0, _RPT, zb, 0)
        pltpu.sync_copy(zb_v, t_sh.at[pl.ds(s * _RPT, _RPT)])

        pltpu.make_async_copy(
            rowi.at[pl.ds(wid * _NCH, _NCH)], ri_v, sg0).wait()
        pltpu.make_async_copy(
            coli.at[pl.ds(wid * _NCH, _NCH)], ci_v, sg1).wait()
        plsc.subcore_barrier()

        bufs = [(g0, sg0, ss0), (g1, sg1, ss1), (g2, sg2, ss2), (g3, sg3, ss3)]
        nb = len(bufs)

        def start_g(j, b):
            pltpu.async_copy(z.at[ri_v.at[j]], bufs[b][0], bufs[b][1])

        def wait_g(b):
            pltpu.make_async_copy(z.at[ri_v.at[0]], bufs[b][0], bufs[b][1]).wait()

        def start_s(j, b):
            pltpu.async_copy(bufs[b][0], t_sh.at[ci_v.at[j]], bufs[b][2],
                             add=True)

        def wait_s(b):
            pltpu.make_async_copy(
                bufs[b][0], t_sh.at[ci_v.at[0]], bufs[b][2]).wait()

        for j in range(min(nb, _NCH)):
            start_g(j, j)
        for j in range(_NCH):
            b = j % nb
            wait_g(b)
            start_s(j, b)
            if j + nb < _NCH:
                wait_s(b)
                start_g(j + nb, b)
        for j in range(max(0, _NCH - nb), _NCH):
            wait_s(j % nb)

        plsc.subcore_barrier()
        pltpu.sync_copy(t_sh.at[pl.ds(s * _RPT, _RPT)], zb_v)
        pltpu.sync_copy(zb_v,
                        t_out.at[pl.ds(s * _RPT, _RPT), pl.ds(c * D, D)])

    return pl.kernel(
        body,
        out_type=jax.ShapeDtypeStruct((_NP, 128), jnp.float32),
        mesh=_mesh(),
        scratch_types=[
            pltpu.VMEM((_NCH, _CH), jnp.int32),
            pltpu.VMEM((_NCH, _CH), jnp.int32),
            pltpu.VMEM((_CH, D), jnp.float32),
            pltpu.VMEM((_CH, D), jnp.float32),
            pltpu.VMEM((_CH, D), jnp.float32),
            pltpu.VMEM((_CH, D), jnp.float32),
            pltpu.VMEM((_RPT, D), jnp.float32),
            pltpu.VMEM_SHARED((_NP, D), jnp.float32),
            pltpu.SemaphoreType.DMA,
            pltpu.SemaphoreType.DMA,
            pltpu.SemaphoreType.DMA,
            pltpu.SemaphoreType.DMA,
            pltpu.SemaphoreType.DMA,
            pltpu.SemaphoreType.DMA,
            pltpu.SemaphoreType.DMA,
            pltpu.SemaphoreType.DMA,
        ],
        compiler_params=pltpu.CompilerParams(
            needs_layout_passes=False, use_tc_tiling_on_sc=False
        ),
    )


_BN = 1024
_NB = 10


def _tc_d1_body(x_ref, w10_ref, w11_ref, hist_ref, z0_ref, dis_ref, zs1_ref):
    deg = jnp.sum(hist_ref[...], axis=0, keepdims=True)
    safe = jnp.where(deg > 0, deg, 1.0)
    dis = jnp.where(deg > 0, lax.rsqrt(safe), 0.0)
    dis_col = dis.reshape(dis.shape[1], 1)
    dis_ref[...] = dis_col
    xb = x_ref[...]
    z0_ref[...] = jnp.dot(xb, w10_ref[...], preferred_element_type=jnp.float32)
    zs1_ref[...] = (
        jnp.dot(xb, w11_ref[...], preferred_element_type=jnp.float32) * dis_col
    )


@functools.lru_cache(maxsize=None)
def _tc_d1(din, dh):
    return pl.pallas_call(
        _tc_d1_body,
        grid=(_NB,),
        in_specs=[
            pl.BlockSpec((_BN, din), lambda i: (i, 0)),
            pl.BlockSpec((din, dh), lambda i: (0, 0)),
            pl.BlockSpec((din, dh), lambda i: (0, 0)),
            pl.BlockSpec((_NW, _BN), lambda i: (0, i)),
        ],
        out_specs=[
            pl.BlockSpec((_BN, dh), lambda i: (i, 0)),
            pl.BlockSpec((_BN, 1), lambda i: (i, 0)),
            pl.BlockSpec((_BN, dh), lambda i: (i, 0)),
        ],
        out_shape=[
            jax.ShapeDtypeStruct((_N, dh), jnp.float32),
            jax.ShapeDtypeStruct((_NP, 1), jnp.float32),
            jax.ShapeDtypeStruct((_N, dh), jnp.float32),
        ],
    )


def _tc_d2_body(z0_ref, t1_ref, dis_ref, b1_ref, w20_ref, w21_ref,
                z20_ref, zs2_ref):
    dh = z0_ref.shape[1]
    t = t1_ref[:, :dh] + t1_ref[:, dh:2 * dh]
    dis = dis_ref[...]
    h = jnp.maximum(z0_ref[...] - dis * t + b1_ref[...], 0.0)
    z20_ref[...] = jnp.dot(h, w20_ref[...], preferred_element_type=jnp.float32)
    zs2_ref[...] = (
        jnp.dot(h, w21_ref[...], preferred_element_type=jnp.float32) * dis
    )


@functools.lru_cache(maxsize=None)
def _tc_d2(dh, do):
    return pl.pallas_call(
        _tc_d2_body,
        grid=(_NB,),
        in_specs=[
            pl.BlockSpec((_BN, dh), lambda i: (i, 0)),
            pl.BlockSpec((_BN, 128), lambda i: (i, 0)),
            pl.BlockSpec((_BN, 1), lambda i: (i, 0)),
            pl.BlockSpec((1, dh), lambda i: (0, 0)),
            pl.BlockSpec((dh, do), lambda i: (0, 0)),
            pl.BlockSpec((dh, do), lambda i: (0, 0)),
        ],
        out_specs=[
            pl.BlockSpec((_BN, do), lambda i: (i, 0)),
            pl.BlockSpec((_BN, do), lambda i: (i, 0)),
        ],
        out_shape=[
            jax.ShapeDtypeStruct((_N, do), jnp.float32),
            jax.ShapeDtypeStruct((_N, do), jnp.float32),
        ],
    )


_BNF = 1024
_NBF = 10


def _tc_fin_body(z20_ref, t2_ref, dis_ref, b2_ref, out_ref):
    do = z20_ref.shape[1]
    t = t2_ref[:, :do] + t2_ref[:, do:2 * do]
    o = z20_ref[...] - dis_ref[...] * t + b2_ref[...]
    m = jnp.max(o, axis=1, keepdims=True)
    lse = jnp.log(jnp.sum(jnp.exp(o - m), axis=1, keepdims=True))
    out_ref[...] = o - m - lse


@functools.lru_cache(maxsize=None)
def _tc_fin(do):
    return pl.pallas_call(
        _tc_fin_body,
        grid=(_NBF,),
        in_specs=[
            pl.BlockSpec((_BNF, do), lambda i: (i, 0)),
            pl.BlockSpec((_BNF, 128), lambda i: (i, 0)),
            pl.BlockSpec((_BNF, 1), lambda i: (i, 0)),
            pl.BlockSpec((1, do), lambda i: (0, 0)),
        ],
        out_specs=pl.BlockSpec((_BNF, do), lambda i: (i, 0)),
        out_shape=jax.ShapeDtypeStruct((_N, do), jnp.float32),
    )


def kernel(x, edge_index, W10, W11, b1, W20, W21, b2):
    din = x.shape[1]
    dh = W10.shape[1]
    do = W20.shape[1]

    rowpad, colpad, hist = _sc_pre()(edge_index.reshape(2 * _E))
    z0, dis, zs1 = _tc_d1(din, dh)(x, W10, W11, hist)

    row2d = rowpad.reshape(_NW * _NCH, _CH)
    col2d = colpad.reshape(_NW * _NCH, _CH)
    t1 = _sc_edge(dh)(zs1, row2d, col2d)
    z20, zs2 = _tc_d2(dh, do)(z0, t1, dis, b1.reshape(1, dh), W20, W21)
    t2 = _sc_edge(do)(zs2, row2d, col2d)
    return _tc_fin(do)(z20, t2, dis, b2.reshape(1, do))

# --- scband reference (transcript-rebuilt; emitter-appended) ---
"""Pipeline reference for scband-cheb-net-4209067950742 (READ-ONLY COPY).

The authoritative reference and input builder live on the scoring server;
editing this copy changes nothing except your own understanding.
"""

import jax, jax.numpy as jnp
import numpy as np

N = 10000
E = 160000
D_IN = 256
D_HID = 32
D_OUT = 16


def setup_inputs(seed: int = 0) -> dict:
    key = jax.random.key(seed)
    ks = jax.random.split(key, 8)
    x = jax.random.normal(ks[0], (N, D_IN), dtype=jnp.float32)
    edge_index = jax.random.randint(ks[1], (2, E), 0, N, dtype=jnp.int32)
    W10 = jax.random.normal(ks[2], (D_IN, D_HID), dtype=jnp.float32) * (1.0 / np.sqrt(D_IN))
    W11 = jax.random.normal(ks[3], (D_IN, D_HID), dtype=jnp.float32) * (1.0 / np.sqrt(D_IN))
    b1 = jnp.zeros((D_HID,), dtype=jnp.float32)
    W20 = jax.random.normal(ks[4], (D_HID, D_OUT), dtype=jnp.float32) * (1.0 / np.sqrt(D_HID))
    W21 = jax.random.normal(ks[5], (D_HID, D_OUT), dtype=jnp.float32) * (1.0 / np.sqrt(D_HID))
    b2 = jnp.zeros((D_OUT,), dtype=jnp.float32)
    return {"x": x, "edge_index": edge_index, "W10": W10, "W11": W11, "b1": b1,
            "W20": W20, "W21": W21, "b2": b2}


def _cheb_conv(x, row, col, mask, W0, W1, b):
    # ChebConv with K=2, sym normalization, lambda_max=2.0 (PyG default):
    # scaled Laplacian L_hat = L - I = -D^{-1/2} A D^{-1/2} (zero diagonal;
    # self-loops are removed by get_laplacian, and the re-added diagonal
    # weight is 2*1/lambda_max - 1 = 0).
    n = x.shape[0]
    deg = jnp.zeros((n,), x.dtype).at[row].add(mask)
    dis = jnp.where(deg > 0, 1.0 / jnp.sqrt(jnp.where(deg > 0, deg, 1.0)), 0.0)
    norm = -dis[row] * dis[col] * mask
    # Tx_0 = x ; Tx_1 = L_hat @ x  (gather from source row, scatter-add to target col)
    tx1 = jnp.zeros_like(x).at[col].add(norm[:, None] * x[row])
    return x @ W0 + tx1 @ W1 + b


def reference(x, edge_index, W10, W11, b1, W20, W21, b2):
    row = edge_index[0]
    col = edge_index[1]
    mask = (row != col).astype(x.dtype)
    h = _cheb_conv(x, row, col, mask, W10, W11, b1)
    h = jax.nn.relu(h)
    # Dropout is identity in eval mode
    h = _cheb_conv(h, row, col, mask, W20, W21, b2)
    return jax.nn.log_softmax(h, axis=1)

if __name__ == "__main__":
    import jax
    _d = setup_inputs()
    print(jax.jit(kernel)(*tuple(_d.values())))

</pallas_src>

<mosaic_0001>
#map = affine_map<(d0, d1) -> (0, 0)>
module attributes {stable_mosaic.version = 14 : i64} {
  func.func @body(%arg0: i32, %arg1: i32, %arg2: memref<10000x32xf32, #tpu.memory_space<hbm>>, %arg3: memref<320x512xi32, #tpu.memory_space<hbm>>, %arg4: memref<320x512xi32, #tpu.memory_space<hbm>>, %arg5: memref<10240x128xf32, #tpu.memory_space<hbm>>, %arg6: memref<10x512xi32, #tpu.memory_space<vmem>>, %arg7: memref<10x512xi32, #tpu.memory_space<vmem>>, %arg8: memref<512x32xf32, #tpu.memory_space<vmem>>, %arg9: memref<512x32xf32, #tpu.memory_space<vmem>>, %arg10: memref<512x32xf32, #tpu.memory_space<vmem>>, %arg11: memref<512x32xf32, #tpu.memory_space<vmem>>, %arg12: memref<640x32xf32, #tpu.memory_space<vmem>>, %arg13: memref<10240x32xf32, #tpu.memory_space<vmem_shared>>, %arg14: memref<!tpu.dma_semaphore, #tpu.memory_space<semaphore_mem>>, %arg15: memref<!tpu.dma_semaphore, #tpu.memory_space<semaphore_mem>>, %arg16: memref<!tpu.dma_semaphore, #tpu.memory_space<semaphore_mem>>, %arg17: memref<!tpu.dma_semaphore, #tpu.memory_space<semaphore_mem>>, %arg18: memref<!tpu.dma_semaphore, #tpu.memory_space<semaphore_mem>>, %arg19: memref<!tpu.dma_semaphore, #tpu.memory_space<semaphore_mem>>, %arg20: memref<!tpu.dma_semaphore, #tpu.memory_space<semaphore_mem>>, %arg21: memref<!tpu.dma_semaphore, #tpu.memory_space<semaphore_mem>>) attributes {dimension_semantics = [#tpu.dimension_semantics<core_parallel>, #tpu.dimension_semantics<subcore_parallel>], iteration_bounds = array<i64: 2, 16>, scalar_prefetch = 0 : i64, scratch_operands = 16 : i64, tpu.core_type = #tpu.core_type<sc_vector_subcore>, window_params = [{transform_indices = #map}, {transform_indices = #map}, {transform_indices = #map}, {transform_indices = #map}]} {
    %mul3A = arith.constant 16 : i32
    %mul3A_0 = arith.muli %arg0, %mul3A : i32
    %add3A = arith.addi %mul3A_0, %arg1 : i32
    %iota3A = tpu.iota {dimensions = array<i32: 0>} : vector<16xi32>
    %convert_element_type3A = arith.sitofp %iota3A : vector<16xi32> to vector<16xf32>
    %mul3A_1 = arith.constant 0.000000e+00 : f32
    %mul3A_2 = vector.broadcast %mul3A_1 : f32 to vector<16xf32>
    %mul3A_3 = arith.mulf %convert_element_type3A, %mul3A_2 : vector<16xf32>
    %mul3A_4 = arith.constant 10 : i32
    %mul3A_5 = arith.muli %add3A, %mul3A_4 : i32
    %dma_start3A = arith.constant 0 : i32
    %dma_start3A_6 = tpu.memref_slice %arg3[%mul3A_5, %dma_start3A] : memref<320x512xi32, #tpu.memory_space<hbm>> -> memref<10x512xi32, #tpu.memory_space<hbm>>
    %dma_start3A_7 = arith.constant 0 : i32
    %dma_start3A_8 = tpu.memref_slice %arg3[%mul3A_5, %dma_start3A_7] : memref<320x512xi32, #tpu.memory_space<hbm>> -> memref<10x512xi32, #tpu.memory_space<hbm>>
    tpu.enqueue_dma source(%dma_start3A_8 : memref<10x512xi32, #tpu.memory_space<hbm>>) target(%arg6 : memref<10x512xi32, #tpu.memory_space<vmem>>) target_semaphore(%arg14 : memref<!tpu.dma_semaphore, #tpu.memory_space<semaphore_mem>>)
    %mul3A_9 = arith.constant 10 : i32
    %mul3A_10 = arith.muli %add3A, %mul3A_9 : i32
    %dma_start3A_11 = arith.constant 0 : i32
    %dma_start3A_12 = tpu.memref_slice %arg4[%mul3A_10, %dma_start3A_11] : memref<320x512xi32, #tpu.memory_space<hbm>> -> memref<10x512xi32, #tpu.memory_space<hbm>>
    %dma_start3A_13 = arith.constant 0 : i32
    %dma_start3A_14 = tpu.memref_slice %arg4[%mul3A_10, %dma_start3A_13] : memref<320x512xi32, #tpu.memory_space<hbm>> -> memref<10x512xi32, #tpu.memory_space<hbm>>
    tpu.enqueue_dma source(%dma_start3A_14 : memref<10x512xi32, #tpu.memory_space<hbm>>) target(%arg7 : memref<10x512xi32, #tpu.memory_space<vmem>>) target_semaphore(%arg15 : memref<!tpu.dma_semaphore, #tpu.memory_space<semaphore_mem>>)
    %scan3A = arith.constant 0 : i32
    %scan3A_15 = arith.constant 0 : i32
    %scan3A_16 = arith.constant 640 : i32
    %scan3A_17 = arith.addi %scan3A_15, %scan3A_16 : i32
    %scan3A_18 = arith.constant 1 : i32
    scf.for %scan3A_320 = %scan3A_15 to %scan3A_17 step %scan3A_18  : i32 {
      %swap3A = arith.index_cast %scan3A_320 : i32 to index
      %swap3A_321 = arith.constant 0 : index
      %swap3A_322 = tpu.vector_load %arg12[%swap3A, %swap3A_321] {strides = array<i32>} : memref<640x32xf32, #tpu.memory_space<vmem>>, vector<16xf32>,
      tpu.vector_store %arg12[%swap3A, %swap3A_321], %mul3A_3 {strides = array<i32>} : memref<640x32xf32, #tpu.memory_space<vmem>>, vector<16xf32>,
      %swap3A_323 = arith.index_cast %scan3A_320 : i32 to index
      %swap3A_324 = arith.constant 16 : index
      %swap3A_325 = tpu.vector_load %arg12[%swap3A_323, %swap3A_324] {strides = array<i32>} : memref<640x32xf32, #tpu.memory_space<vmem>>, vector<16xf32>,
      tpu.vector_store %arg12[%swap3A_323, %swap3A_324], %mul3A_3 {strides = array<i32>} : memref<640x32xf32, #tpu.memory_space<vmem>>, vector<16xf32>,
    }
    %scan3A_19 = arith.constant 640 : i32
    %mul3A_20 = arith.constant 640 : i32
    %mul3A_21 = arith.muli %arg1, %mul3A_20 : i32
    "tpu.region"() ({
      %run_scoped3A = tpu.sem_alloc : memref<!tpu.dma_semaphore, #tpu.memory_space<semaphore_mem>>
      %dma_start3A_320 = arith.constant 0 : i32
      %dma_start3A_321 = tpu.memref_slice %arg13[%mul3A_21, %dma_start3A_320] : memref<10240x32xf32, #tpu.memory_space<vmem_shared>> -> memref<640x32xf32, #tpu.memory_space<vmem_shared>>
      %dma_start3A_322 = arith.constant 0 : i32
      %dma_start3A_323 = tpu.memref_slice %arg13[%mul3A_21, %dma_start3A_322] : memref<10240x32xf32, #tpu.memory_space<vmem_shared>> -> memref<640x32xf32, #tpu.memory_space<vmem_shared>>
      tpu.enqueue_dma source(%arg12 : memref<640x32xf32, #tpu.memory_space<vmem>>) target(%dma_start3A_323 : memref<640x32xf32, #tpu.memory_space<vmem_shared>>) target_semaphore(%run_scoped3A : memref<!tpu.dma_semaphore, #tpu.memory_space<semaphore_mem>>)
      %dma_wait3A_324 = arith.constant 0 : i32
      %dma_wait3A_325 = tpu.memref_slice %arg13[%mul3A_21, %dma_wait3A_324] : memref<10240x32xf32, #tpu.memory_space<vmem_shared>> -> memref<640x32xf32, #tpu.memory_space<vmem_shared>>
      %dma_wait3A_326 = arith.constant 0 : i32
      %dma_wait3A_327 = tpu.memref_slice %arg13[%mul3A_21, %dma_wait3A_326] : memref<10240x32xf32, #tpu.memory_space<vmem_shared>> -> memref<640x32xf32, #tpu.memory_space<vmem_shared>>
      tpu.wait_dma2 semaphore(%run_scoped3A : memref<!tpu.dma_semaphore, #tpu.memory_space<semaphore_mem>>) src(%arg12 : memref<640x32xf32, #tpu.memory_space<vmem>>) dst(%dma_wait3A_327 : memref<640x32xf32, #tpu.memory_space<vmem_shared>>)
      tpu.yield
    }) : () -> ()
    %mul3A_22 = arith.constant 10 : i32
    %mul3A_23 = arith.muli %add3A, %mul3A_22 : i32
    %dma_wait3A = arith.constant 0 : i32
    %dma_wait3A_24 = tpu.memref_slice %arg3[%mul3A_23, %dma_wait3A] : memref<320x512xi32, #tpu.memory_space<hbm>> -> memref<10x512xi32, #tpu.memory_space<hbm>>
    %dma_wait3A_25 = arith.constant 0 : i32
    %dma_wait3A_26 = tpu.memref_slice %arg3[%mul3A_23, %dma_wait3A_25] : memref<320x512xi32, #tpu.memory_space<hbm>> -> memref<10x512xi32, #tpu.memory_space<hbm>>
    tpu.wait_dma2 semaphore(%arg14 : memref<!tpu.dma_semaphore, #tpu.memory_space<semaphore_mem>>) src(%dma_wait3A_26 : memref<10x512xi32, #tpu.memory_space<hbm>>) dst(%arg6 : memref<10x512xi32, #tpu.memory_space<vmem>>)
    %mul3A_27 = arith.constant 10 : i32
    %mul3A_28 = arith.muli %add3A, %mul3A_27 : i32
    %dma_wait3A_29 = arith.constant 0 : i32
    %dma_wait3A_30 = tpu.memref_slice %arg4[%mul3A_28, %dma_wait3A_29] : memref<320x512xi32, #tpu.memory_space<hbm>> -> memref<10x512xi32, #tpu.memory_space<hbm>>
    %dma_wait3A_31 = arith.constant 0 : i32
    %dma_wait3A_32 = tpu.memref_slice %arg4[%mul3A_28, %dma_wait3A_31] : memref<320x512xi32, #tpu.memory_space<hbm>> -> memref<10x512xi32, #tpu.memory_space<hbm>>
    tpu.wait_dma2 semaphore(%arg15 : memref<!tpu.dma_semaphore, #tpu.memory_space<semaphore_mem>>) src(%dma_wait3A_32 : memref<10x512xi32, #tpu.memory_space<hbm>>) dst(%arg7 : memref<10x512xi32, #tpu.memory_space<vmem>>)
    %barrier3A = arith.constant 0 : index
    tpu.barrier barrier_id(%barrier3A)
    %dma_start3A_33 = arith.constant 0 : i32
    %dma_start3A_34 = arith.constant 0 : i32
    %dma_start3A_35 = tpu.memref_slice %arg6[%dma_start3A_33, %dma_start3A_34] : memref<10x512xi32, #tpu.memory_space<vmem>> -> memref<1x512xi32, #tpu.memory_space<vmem>>
    %dma_start3A_36 = tpu.memref_squeeze %dma_start3A_35 : memref<1x512xi32, #tpu.memory_space<vmem>> -> memref<512xi32, #tpu.memory_space<vmem>>
    %dma_start3A_37 = arith.constant 0 : i32
    %dma_start3A_38 = arith.constant 0 : i32
    %dma_start3A_39 = tpu.memref_slice %arg2[%dma_start3A_37, %dma_start3A_38] : memref<10000x32xf32, #tpu.memory_space<hbm>> -> memref<10000x32xf32, #tpu.memory_space<hbm>>
    tpu.enqueue_indirect_dma source(%dma_start3A_39 : memref<10000x32xf32, #tpu.memory_space<hbm>>) target(%arg8 : memref<512x32xf32, #tpu.memory_space<vmem>>) offsets(%dma_start3A_36 : memref<512xi32, #tpu.memory_space<vmem>>) semaphore(%arg14 : memref<!tpu.dma_semaphore, #tpu.memory_space<semaphore_mem>>)
    %dma_start3A_40 = arith.constant 1 : i32
    %dma_start3A_41 = arith.constant 0 : i32
    %dma_start3A_42 = tpu.memref_slice %arg6[%dma_start3A_40, %dma_start3A_41] : memref<10x512xi32, #tpu.memory_space<vmem>> -> memref<1x512xi32, #tpu.memory_space<vmem>>
    %dma_start3A_43 = tpu.memref_squeeze %dma_start3A_42 : memref<1x512xi32, #tpu.memory_space<vmem>> -> memref<512xi32, #tpu.memory_space<vmem>>
    %dma_start3A_44 = arith.constant 0 : i32
    %dma_start3A_45 = arith.constant 0 : i32
    %dma_start3A_46 = tpu.memref_slice %arg2[%dma_start3A_44, %dma_start3A_45] : memref<10000x32xf32, #tpu.memory_space<hbm>> -> memref<10000x32xf32, #tpu.memory_space<hbm>>
    tpu.enqueue_indirect_dma source(%dma_start3A_46 : memref<10000x32xf32, #tpu.memory_space<hbm>>) target(%arg9 : memref<512x32xf32, #tpu.memory_space<vmem>>) offsets(%dma_start3A_43 : memref<512xi32, #tpu.memory_space<vmem>>) semaphore(%arg15 : memref<!tpu.dma_semaphore, #tpu.memory_space<semaphore_mem>>)
    %dma_start3A_47 = arith.constant 2 : i32
    %dma_start3A_48 = arith.constant 0 : i32
    %dma_start3A_49 = tpu.memref_slice %arg6[%dma_start3A_47, %dma_start3A_48] : memref<10x512xi32, #tpu.memory_space<vmem>> -> memref<1x512xi32, #tpu.memory_space<vmem>>
    %dma_start3A_50 = tpu.memref_squeeze %dma_start3A_49 : memref<1x512xi32, #tpu.memory_space<vmem>> -> memref<512xi32, #tpu.memory_space<vmem>>
    %dma_start3A_51 = arith.constant 0 : i32
    %dma_start3A_52 = arith.constant 0 : i32
    %dma_start3A_53 = tpu.memref_slice %arg2[%dma_start3A_51, %dma_start3A_52] : memref<10000x32xf32, #tpu.memory_space<hbm>> -> memref<10000x32xf32, #tpu.memory_space<hbm>>
    tpu.enqueue_indirect_dma source(%dma_start3A_53 : memref<10000x32xf32, #tpu.memory_space<hbm>>) target(%arg10 : memref<512x32xf32, #tpu.memory_space<vmem>>) offsets(%dma_start3A_50 : memref<512xi32, #tpu.memory_space<vmem>>) semaphore(%arg16 : memref<!tpu.dma_semaphore, #tpu.memory_space<semaphore_mem>>)
    %dma_start3A_54 = arith.constant 3 : i32
    %dma_start3A_55 = arith.constant 0 : i32
    %dma_start3A_56 = tpu.memref_slice %arg6[%dma_start3A_54, %dma_start3A_55] : memref<10x512xi32, #tpu.memory_space<vmem>> -> memref<1x512xi32, #tpu.memory_space<vmem>>
    %dma_start3A_57 = tpu.memref_squeeze %dma_start3A_56 : memref<1x512xi32, #tpu.memory_space<vmem>> -> memref<512xi32, #tpu.memory_space<vmem>>
    %dma_start3A_58 = arith.constant 0 : i32
    %dma_start3A_59 = arith.constant 0 : i32
    %dma_start3A_60 = tpu.memref_slice %arg2[%dma_start3A_58, %dma_start3A_59] : memref<10000x32xf32, #tpu.memory_space<hbm>> -> memref<10000x32xf32, #tpu.memory_space<hbm>>
    tpu.enqueue_indirect_dma source(%dma_start3A_60 : memref<10000x32xf32, #tpu.memory_space<hbm>>) target(%arg11 : memref<512x32xf32, #tpu.memory_space<vmem>>) offsets(%dma_start3A_57 : memref<512xi32, #tpu.memory_space<vmem>>) semaphore(%arg17 : memref<!tpu.dma_semaphore, #tpu.memory_space<semaphore_mem>>)
    %dma_wait3A_61 = arith.constant 0 : i32
    %dma_wait3A_62 = arith.constant 0 : i32
    %dma_wait3A_63 = tpu.memref_slice %arg6[%dma_wait3A_61, %dma_wait3A_62] : memref<10x512xi32, #tpu.memory_space<vmem>> -> memref<1x512xi32, #tpu.memory_space<vmem>>
    %dma_wait3A_64 = tpu.memref_squeeze %dma_wait3A_63 : memref<1x512xi32, #tpu.memory_space<vmem>> -> memref<512xi32, #tpu.memory_space<vmem>>
    %dma_wait3A_65 = arith.constant 0 : i32
    %dma_wait3A_66 = arith.constant 0 : i32
    %dma_wait3A_67 = tpu.memref_slice %arg2[%dma_wait3A_65, %dma_wait3A_66] : memref<10000x32xf32, #tpu.memory_space<hbm>> -> memref<10000x32xf32, #tpu.memory_space<hbm>>
    tpu.wait_indirect_dma semaphore(%arg14 : memref<!tpu.dma_semaphore, #tpu.memory_space<semaphore_mem>>) src(%dma_wait3A_67 : memref<10000x32xf32, #tpu.memory_space<hbm>>) dst(%arg8 : memref<512x32xf32, #tpu.memory_space<vmem>>)
    %dma_start3A_68 = arith.constant 0 : i32
    %dma_start3A_69 = arith.constant 0 : i32
    %dma_start3A_70 = tpu.memref_slice %arg7[%dma_start3A_68, %dma_start3A_69] : memref<10x512xi32, #tpu.memory_space<vmem>> -> memref<1x512xi32, #tpu.memory_space<vmem>>
    %dma_start3A_71 = tpu.memref_squeeze %dma_start3A_70 : memref<1x512xi32, #tpu.memory_space<vmem>> -> memref<512xi32, #tpu.memory_space<vmem>>
    %dma_start3A_72 = arith.constant 0 : i32
    %dma_start3A_73 = arith.constant 0 : i32
    %dma_start3A_74 = tpu.memref_slice %arg13[%dma_start3A_72, %dma_start3A_73] : memref<10240x32xf32, #tpu.memory_space<vmem_shared>> -> memref<10240x32xf32, #tpu.memory_space<vmem_shared>>
    tpu.enqueue_indirect_dma source(%arg8 : memref<512x32xf32, #tpu.memory_space<vmem>>) target(%dma_start3A_74 : memref<10240x32xf32, #tpu.memory_space<vmem_shared>>) offsets(%dma_start3A_71 : memref<512xi32, #tpu.memory_space<vmem>>) semaphore(%arg18 : memref<!tpu.dma_semaphore, #tpu.memory_space<semaphore_mem>>) {add = true}
    %dma_wait3A_75 = arith.constant 0 : i32
    %dma_wait3A_76 = arith.constant 0 : i32
    %dma_wait3A_77 = tpu.memref_slice %arg7[%dma_wait3A_75, %dma_wait3A_76] : memref<10x512xi32, #tpu.memory_space<vmem>> -> memref<1x512xi32, #tpu.memory_space<vmem>>
    %dma_wait3A_78 = tpu.memref_squeeze %dma_wait3A_77 : memref<1x512xi32, #tpu.memory_space<vmem>> -> memref<512xi32, #tpu.memory_space<vmem>>
    %dma_wait3A_79 = arith.constant 0 : i32
    %dma_wait3A_80 = arith.constant 0 : i32
    %dma_wait3A_81 = tpu.memref_slice %arg13[%dma_wait3A_79, %dma_wait3A_80] : memref<10240x32xf32, #tpu.memory_space<vmem_shared>> -> memref<10240x32xf32, #tpu.memory_space<vmem_shared>>
    tpu.wait_indirect_dma semaphore(%arg18 : memref<!tpu.dma_semaphore, #tpu.memory_space<semaphore_mem>>) src(%arg8 : memref<512x32xf32, #tpu.memory_space<vmem>>) dst(%dma_wait3A_81 : memref<10240x32xf32, #tpu.memory_space<vmem_shared>>)
    %dma_start3A_82 = arith.constant 4 : i32
    %dma_start3A_83 = arith.constant 0 : i32
    %dma_start3A_84 = tpu.memref_slice %arg6[%dma_start3A_82, %dma_start3A_83] : memref<10x512xi32, #tpu.memory_space<vmem>> -> memref<1x512xi32, #tpu.memory_space<vmem>>
    %dma_start3A_85 = tpu.memref_squeeze %dma_start3A_84 : memref<1x512xi32, #tpu.memory_space<vmem>> -> memref<512xi32, #tpu.memory_space<vmem>>
    %dma_start3A_86 = arith.constant 0 : i32
    %dma_start3A_87 = arith.constant 0 : i32
    %dma_start3A_88 = tpu.memref_slice %arg2[%dma_start3A_86, %dma_start3A_87] : memref<10000x32xf32, #tpu.memory_space<hbm>> -> memref<10000x32xf32, #tpu.memory_space<hbm>>
    tpu.enqueue_indirect_dma source(%dma_start3A_88 : memref<10000x32xf32, #tpu.memory_space<hbm>>) target(%arg8 : memref<512x32xf32, #tpu.memory_space<vmem>>) offsets(%dma_start3A_85 : memref<512xi32, #tpu.memory_space<vmem>>) semaphore(%arg14 : memref<!tpu.dma_semaphore, #tpu.memory_space<semaphore_mem>>)
    %dma_wait3A_89 = arith.constant 0 : i32
    %dma_wait3A_90 = arith.constant 0 : i32
    %dma_wait3A_91 = tpu.memref_slice %arg6[%dma_wait3A_89, %dma_wait3A_90] : memref<10x512xi32, #tpu.memory_space<vmem>> -> memref<1x512xi32, #tpu.memory_space<vmem>>
    %dma_wait3A_92 = tpu.memref_squeeze %dma_wait3A_91 : memref<1x512xi32, #tpu.memory_space<vmem>> -> memref<512xi32, #tpu.memory_space<vmem>>
    %dma_wait3A_93 = arith.constant 0 : i32
    %dma_wait3A_94 = arith.constant 0 : i32
    %dma_wait3A_95 = tpu.memref_slice %arg2[%dma_wait3A_93, %dma_wait3A_94] : memref<10000x32xf32, #tpu.memory_space<hbm>> -> memref<10000x32xf32, #tpu.memory_space<hbm>>
    tpu.wait_indirect_dma semaphore(%arg15 : memref<!tpu.dma_semaphore, #tpu.memory_space<semaphore_mem>>) src(%dma_wait3A_95 : memref<10000x32xf32, #tpu.memory_space<hbm>>) dst(%arg9 : memref<512x32xf32, #tpu.memory_space<vmem>>)
    %dma_start3A_96 = arith.constant 1 : i32
    %dma_start3A_97 = arith.constant 0 : i32
    %dma_start3A_98 = tpu.memref_slice %arg7[%dma_start3A_96, %dma_start3A_97] : memref<10x512xi32, #tpu.memory_space<vmem>> -> memref<1x512xi32, #tpu.memory_space<vmem>>
    %dma_start3A_99 = tpu.memref_squeeze %dma_start3A_98 : memref<1x512xi32, #tpu.memory_space<vmem>> -> memref<512xi32, #tpu.memory_space<vmem>>
    %dma_start3A_100 = arith.constant 0 : i32
    %dma_start3A_101 = arith.constant 0 : i32
    %dma_start3A_102 = tpu.memref_slice %arg13[%dma_start3A_100, %dma_start3A_101] : memref<10240x32xf32, #tpu.memory_space<vmem_shared>> -> memref<10240x32xf32, #tpu.memory_space<vmem_shared>>
    tpu.enqueue_indirect_dma source(%arg9 : memref<512x32xf32, #tpu.memory_space<vmem>>) target(%dma_start3A_102 : memref<10240x32xf32, #tpu.memory_space<vmem_shared>>) offsets(%dma_start3A_99 : memref<512xi32, #tpu.memory_space<vmem>>) semaphore(%arg19 : memref<!tpu.dma_semaphore, #tpu.memory_space<semaphore_mem>>) {add = true}
    %dma_wait3A_103 = arith.constant 0 : i32
    %dma_wait3A_104 = arith.constant 0 : i32
    %dma_wait3A_105 = tpu.memref_slice %arg7[%dma_wait3A_103, %dma_wait3A_104] : memref<10x512xi32, #tpu.memory_space<vmem>> -> memref<1x512xi32, #tpu.memory_space<vmem>>
    %dma_wait3A_106 = tpu.memref_squeeze %dma_wait3A_105 : memref<1x512xi32, #tpu.memory_space<vmem>> -> memref<512xi32, #tpu.memory_space<vmem>>
    %dma_wait3A_107 = arith.constant 0 : i32
    %dma_wait3A_108 = arith.constant 0 : i32
    %dma_wait3A_109 = tpu.memref_slice %arg13[%dma_wait3A_107, %dma_wait3A_108] : memref<10240x32xf32, #tpu.memory_space<vmem_shared>> -> memref<10240x32xf32, #tpu.memory_space<vmem_shared>>
    tpu.wait_indirect_dma semaphore(%arg19 : memref<!tpu.dma_semaphore, #tpu.memory_space<semaphore_mem>>) src(%arg9 : memref<512x32xf32, #tpu.memory_space<vmem>>) dst(%dma_wait3A_109 : memref<10240x32xf32, #tpu.memory_space<vmem_shared>>)
    %dma_start3A_110 = arith.constant 5 : i32
    %dma_start3A_111 = arith.constant 0 : i32
    %dma_start3A_112 = tpu.memref_slice %arg6[%dma_start3A_110, %dma_start3A_111] : memref<10x512xi32, #tpu.memory_space<vmem>> -> memref<1x512xi32, #tpu.memory_space<vmem>>
    %dma_start3A_113 = tpu.memref_squeeze %dma_start3A_112 : memref<1x512xi32, #tpu.memory_space<vmem>> -> memref<512xi32, #tpu.memory_space<vmem>>
    %dma_start3A_114 = arith.constant 0 : i32
    %dma_start3A_115 = arith.constant 0 : i32
    %dma_start3A_116 = tpu.memref_slice %arg2[%dma_start3A_114, %dma_start3A_115] : memref<10000x32xf32, #tpu.memory_space<hbm>> -> memref<10000x32xf32, #tpu.memory_space<hbm>>
    tpu.enqueue_indirect_dma source(%dma_start3A_116 : memref<10000x32xf32, #tpu.memory_space<hbm>>) target(%arg9 : memref<512x32xf32, #tpu.memory_space<vmem>>) offsets(%dma_start3A_113 : memref<512xi32, #tpu.memory_space<vmem>>) semaphore(%arg15 : memref<!tpu.dma_semaphore, #tpu.memory_space<semaphore_mem>>)
    %dma_wait3A_117 = arith.constant 0 : i32
    %dma_wait3A_118 = arith.constant 0 : i32
    %dma_wait3A_119 = tpu.memref_slice %arg6[%dma_wait3A_117, %dma_wait3A_118] : memref<10x512xi32, #tpu.memory_space<vmem>> -> memref<1x512xi32, #tpu.memory_space<vmem>>
    %dma_wait3A_120 = tpu.memref_squeeze %dma_wait3A_119 : memref<1x512xi32, #tpu.memory_space<vmem>> -> memref<512xi32, #tpu.memory_space<vmem>>
    %dma_wait3A_121 = arith.constant 0 : i32
    %dma_wait3A_122 = arith.constant 0 : i32
    %dma_wait3A_123 = tpu.memref_slice %arg2[%dma_wait3A_121, %dma_wait3A_122] : memref<10000x32xf32, #tpu.memory_space<hbm>> -> memref<10000x32xf32, #tpu.memory_space<hbm>>
    tpu.wait_indirect_dma semaphore(%arg16 : memref<!tpu.dma_semaphore, #tpu.memory_space<semaphore_mem>>) src(%dma_wait3A_123 : memref<10000x32xf32, #tpu.memory_space<hbm>>) dst(%arg10 : memref<512x32xf32, #tpu.memory_space<vmem>>)
    %dma_start3A_124 = arith.constant 2 : i32
    %dma_start3A_125 = arith.constant 0 : i32
    %dma_start3A_126 = tpu.memref_slice %arg7[%dma_start3A_124, %dma_start3A_125] : memref<10x512xi32, #tpu.memory_space<vmem>> -> memref<1x512xi32, #tpu.memory_space<vmem>>
    %dma_start3A_127 = tpu.memref_squeeze %dma_start3A_126 : memref<1x512xi32, #tpu.memory_space<vmem>> -> memref<512xi32, #tpu.memory_space<vmem>>
    %dma_start3A_128 = arith.constant 0 : i32
    %dma_start3A_129 = arith.constant 0 : i32
    %dma_start3A_130 = tpu.memref_slice %arg13[%dma_start3A_128, %dma_start3A_129] : memref<10240x32xf32, #tpu.memory_space<vmem_shared>> -> memref<10240x32xf32, #tpu.memory_space<vmem_shared>>
    tpu.enqueue_indirect_dma source(%arg10 : memref<512x32xf32, #tpu.memory_space<vmem>>) target(%dma_start3A_130 : memref<10240x32xf32, #tpu.memory_space<vmem_shared>>) offsets(%dma_start3A_127 : memref<512xi32, #tpu.memory_space<vmem>>) semaphore(%arg20 : memref<!tpu.dma_semaphore, #tpu.memory_space<semaphore_mem>>) {add = true}
    %dma_wait3A_131 = arith.constant 0 : i32
    %dma_wait3A_132 = arith.constant 0 : i32
    %dma_wait3A_133 = tpu.memref_slice %arg7[%dma_wait3A_131, %dma_wait3A_132] : memref<10x512xi32, #tpu.memory_space<vmem>> -> memref<1x512xi32, #tpu.memory_space<vmem>>
    %dma_wait3A_134 = tpu.memref_squeeze %dma_wait3A_133 : memref<1x512xi32, #tpu.memory_space<vmem>> -> memref<512xi32, #tpu.memory_space<vmem>>
    %dma_wait3A_135 = arith.constant 0 : i32
    %dma_wait3A_136 = arith.constant 0 : i32
    %dma_wait3A_137 = tpu.memref_slice %arg13[%dma_wait3A_135, %dma_wait3A_136] : memref<10240x32xf32, #tpu.memory_space<vmem_shared>> -> memref<10240x32xf32, #tpu.memory_space<vmem_shared>>
    tpu.wait_indirect_dma semaphore(%arg20 : memref<!tpu.dma_semaphore, #tpu.memory_space<semaphore_mem>>) src(%arg10 : memref<512x32xf32, #tpu.memory_space<vmem>>) dst(%dma_wait3A_137 : memref<10240x32xf32, #tpu.memory_space<vmem_shared>>)
    %dma_start3A_138 = arith.constant 6 : i32
    %dma_start3A_139 = arith.constant 0 : i32
    %dma_start3A_140 = tpu.memref_slice %arg6[%dma_start3A_138, %dma_start3A_139] : memref<10x512xi32, #tpu.memory_space<vmem>> -> memref<1x512xi32, #tpu.memory_space<vmem>>
    %dma_start3A_141 = tpu.memref_squeeze %dma_start3A_140 : memref<1x512xi32, #tpu.memory_space<vmem>> -> memref<512xi32, #tpu.memory_space<vmem>>
    %dma_start3A_142 = arith.constant 0 : i32
    %dma_start3A_143 = arith.constant 0 : i32
    %dma_start3A_144 = tpu.memref_slice %arg2[%dma_start3A_142, %dma_start3A_143] : memref<10000x32xf32, #tpu.memory_space<hbm>> -> memref<10000x32xf32, #tpu.memory_space<hbm>>
    tpu.enqueue_indirect_dma source(%dma_start3A_144 : memref<10000x32xf32, #tpu.memory_space<hbm>>) target(%arg10 : memref<512x32xf32, #tpu.memory_space<vmem>>) offsets(%dma_start3A_141 : memref<512xi32, #tpu.memory_space<vmem>>) semaphore(%arg16 : memref<!tpu.dma_semaphore, #tpu.memory_space<semaphore_mem>>)
    %dma_wait3A_145 = arith.constant 0 : i32
    %dma_wait3A_146 = arith.constant 0 : i32
    %dma_wait3A_147 = tpu.memref_slice %arg6[%dma_wait3A_145, %dma_wait3A_146] : memref<10x512xi32, #tpu.memory_space<vmem>> -> memref<1x512xi32, #tpu.memory_space<vmem>>
    %dma_wait3A_148 = tpu.memref_squeeze %dma_wait3A_147 : memref<1x512xi32, #tpu.memory_space<vmem>> -> memref<512xi32, #tpu.memory_space<vmem>>
    %dma_wait3A_149 = arith.constant 0 : i32
    %dma_wait3A_150 = arith.constant 0 : i32
    %dma_wait3A_151 = tpu.memref_slice %arg2[%dma_wait3A_149, %dma_wait3A_150] : memref<10000x32xf32, #tpu.memory_space<hbm>> -> memref<10000x32xf32, #tpu.memory_space<hbm>>
    tpu.wait_indirect_dma semaphore(%arg17 : memref<!tpu.dma_semaphore, #tpu.memory_space<semaphore_mem>>) src(%dma_wait3A_151 : memref<10000x32xf32, #tpu.memory_space<hbm>>) dst(%arg11 : memref<512x32xf32, #tpu.memory_space<vmem>>)
    %dma_start3A_152 = arith.constant 3 : i32
    %dma_start3A_153 = arith.constant 0 : i32
    %dma_start3A_154 = tpu.memref_slice %arg7[%dma_start3A_152, %dma_start3A_153] : memref<10x512xi32, #tpu.memory_space<vmem>> -> memref<1x512xi32, #tpu.memory_space<vmem>>
    %dma_start3A_155 = tpu.memref_squeeze %dma_start3A_154 : memref<1x512xi32, #tpu.memory_space<vmem>> -> memref<512xi32, #tpu.memory_space<vmem>>
    %dma_start3A_156 = arith.constant 0 : i32
    %dma_start3A_157 = arith.constant 0 : i32
    %dma_start3A_158 = tpu.memref_slice %arg13[%dma_start3A_156, %dma_start3A_157] : memref<10240x32xf32, #tpu.memory_space<vmem_shared>> -> memref<10240x32xf32, #tpu.memory_space<vmem_shared>>
    tpu.enqueue_indirect_dma source(%arg11 : memref<512x32xf32, #tpu.memory_space<vmem>>) target(%dma_start3A_158 : memref<10240x32xf32, #tpu.memory_space<vmem_shared>>) offsets(%dma_start3A_155 : memref<512xi32, #tpu.memory_space<vmem>>) semaphore(%arg21 : memref<!tpu.dma_semaphore, #tpu.memory_space<semaphore_mem>>) {add = true}
    %dma_wait3A_159 = arith.constant 0 : i32
    %dma_wait3A_160 = arith.constant 0 : i32
    %dma_wait3A_161 = tpu.memref_slice %arg7[%dma_wait3A_159, %dma_wait3A_160] : memref<10x512xi32, #tpu.memory_space<vmem>> -> memref<1x512xi32, #tpu.memory_space<vmem>>
    %dma_wait3A_162 = tpu.memref_squeeze %dma_wait3A_161 : memref<1x512xi32, #tpu.memory_space<vmem>> -> memref<512xi32, #tpu.memory_space<vmem>>
    %dma_wait3A_163 = arith.constant 0 : i32
    %dma_wait3A_164 = arith.constant 0 : i32
    %dma_wait3A_165 = tpu.memref_slice %arg13[%dma_wait3A_163, %dma_wait3A_164] : memref<10240x32xf32, #tpu.memory_space<vmem_shared>> -> memref<10240x32xf32, #tpu.memory_space<vmem_shared>>
    tpu.wait_indirect_dma semaphore(%arg21 : memref<!tpu.dma_semaphore, #tpu.memory_space<semaphore_mem>>) src(%arg11 : memref<512x32xf32, #tpu.memory_space<vmem>>) dst(%dma_wait3A_165 : memref<10240x32xf32, #tpu.memory_space<vmem_shared>>)
    %dma_start3A_166 = arith.constant 7 : i32
    %dma_start3A_167 = arith.constant 0 : i32
    %dma_start3A_168 = tpu.memref_slice %arg6[%dma_start3A_166, %dma_start3A_167] : memref<10x512xi32, #tpu.memory_space<vmem>> -> memref<1x512xi32, #tpu.memory_space<vmem>>
    %dma_start3A_169 = tpu.memref_squeeze %dma_start3A_168 : memref<1x512xi32, #tpu.memory_space<vmem>> -> memref<512xi32, #tpu.memory_space<vmem>>
    %dma_start3A_170 = arith.constant 0 : i32
    %dma_start3A_171 = arith.constant 0 : i32
    %dma_start3A_172 = tpu.memref_slice %arg2[%dma_start3A_170, %dma_start3A_171] : memref<10000x32xf32, #tpu.memory_space<hbm>> -> memref<10000x32xf32, #tpu.memory_space<hbm>>
    tpu.enqueue_indirect_dma source(%dma_start3A_172 : memref<10000x32xf32, #tpu.memory_space<hbm>>) target(%arg11 : memref<512x32xf32, #tpu.memory_space<vmem>>) offsets(%dma_start3A_169 : memref<512xi32, #tpu.memory_space<vmem>>) semaphore(%arg17 : memref<!tpu.dma_semaphore, #tpu.memory_space<semaphore_mem>>)
    %dma_wait3A_173 = arith.constant 0 : i32
    %dma_wait3A_174 = arith.constant 0 : i32
    %dma_wait3A_175 = tpu.memref_slice %arg6[%dma_wait3A_173, %dma_wait3A_174] : memref<10x512xi32, #tpu.memory_space<vmem>> -> memref<1x512xi32, #tpu.memory_space<vmem>>
    %dma_wait3A_176 = tpu.memref_squeeze %dma_wait3A_175 : memref<1x512xi32, #tpu.memory_space<vmem>> -> memref<512xi32, #tpu.memory_space<vmem>>
    %dma_wait3A_177 = arith.constant 0 : i32
    %dma_wait3A_178 = arith.constant 0 : i32
    %dma_wait3A_179 = tpu.memref_slice %arg2[%dma_wait3A_177, %dma_wait3A_178] : memref<10000x32xf32, #tpu.memory_space<hbm>> -> memref<10000x32xf32, #tpu.memory_space<hbm>>
    tpu.wait_indirect_dma semaphore(%arg14 : memref<!tpu.dma_semaphore, #tpu.memory_space<semaphore_mem>>) src(%dma_wait3A_179 : memref<10000x32xf32, #tpu.memory_space<hbm>>) dst(%arg8 : memref<512x32xf32, #tpu.memory_space<vmem>>)
    %dma_start3A_180 = arith.constant 4 : i32
    %dma_start3A_181 = arith.constant 0 : i32
    %dma_start3A_182 = tpu.memref_slice %arg7[%dma_start3A_180, %dma_start3A_181] : memref<10x512xi32, #tpu.memory_space<vmem>> -> memref<1x512xi32, #tpu.memory_space<vmem>>
    %dma_start3A_183 = tpu.memref_squeeze %dma_start3A_182 : memref<1x512xi32, #tpu.memory_space<vmem>> -> memref<512xi32, #tpu.memory_space<vmem>>
    %dma_start3A_184 = arith.constant 0 : i32
    %dma_start3A_185 = arith.constant 0 : i32
    %dma_start3A_186 = tpu.memref_slice %arg13[%dma_start3A_184, %dma_start3A_185] : memref<10240x32xf32, #tpu.memory_space<vmem_shared>> -> memref<10240x32xf32, #tpu.memory_space<vmem_shared>>
    tpu.enqueue_indirect_dma source(%arg8 : memref<512x32xf32, #tpu.memory_space<vmem>>) target(%dma_start3A_186 : memref<10240x32xf32, #tpu.memory_space<vmem_shared>>) offsets(%dma_start3A_183 : memref<512xi32, #tpu.memory_space<vmem>>) semaphore(%arg18 : memref<!tpu.dma_semaphore, #tpu.memory_space<semaphore_mem>>) {add = true}
    %dma_wait3A_187 = arith.constant 0 : i32
    %dma_wait3A_188 = arith.constant 0 : i32
    %dma_wait3A_189 = tpu.memref_slice %arg7[%dma_wait3A_187, %dma_wait3A_188] : memref<10x512xi32, #tpu.memory_space<vmem>> -> memref<1x512xi32, #tpu.memory_space<vmem>>
    %dma_wait3A_190 = tpu.memref_squeeze %dma_wait3A_189 : memref<1x512xi32, #tpu.memory_space<vmem>> -> memref<512xi32, #tpu.memory_space<vmem>>
    %dma_wait3A_191 = arith.constant 0 : i32
    %dma_wait3A_192 = arith.constant 0 : i32
    %dma_wait3A_193 = tpu.memref_slice %arg13[%dma_wait3A_191, %dma_wait3A_192] : memref<10240x32xf32, #tpu.memory_space<vmem_shared>> -> memref<10240x32xf32, #tpu.memory_space<vmem_shared>>
    tpu.wait_indirect_dma semaphore(%arg18 : memref<!tpu.dma_semaphore, #tpu.memory_space<semaphore_mem>>) src(%arg8 : memref<512x32xf32, #tpu.memory_space<vmem>>) dst(%dma_wait3A_193 : memref<10240x32xf32, #tpu.memory_space<vmem_shared>>)
    %dma_start3A_194 = arith.constant 8 : i32
    %dma_start3A_195 = arith.constant 0 : i32
    %dma_start3A_196 = tpu.memref_slice %arg6[%dma_start3A_194, %dma_start3A_195] : memref<10x512xi32, #tpu.memory_space<vmem>> -> memref<1x512xi32, #tpu.memory_space<vmem>>
    %dma_start3A_197 = tpu.memref_squeeze %dma_start3A_196 : memref<1x512xi32, #tpu.memory_space<vmem>> -> memref<512xi32, #tpu.memory_space<vmem>>
    %dma_start3A_198 = arith.constant 0 : i32
    %dma_start3A_199 = arith.constant 0 : i32
    %dma_start3A_200 = tpu.memref_slice %arg2[%dma_start3A_198, %dma_start3A_199] : memref<10000x32xf32, #tpu.memory_space<hbm>> -> memref<10000x32xf32, #tpu.memory_space<hbm>>
    tpu.enqueue_indirect_dma source(%dma_start3A_200 : memref<10000x32xf32, #tpu.memory_space<hbm>>) target(%arg8 : memref<512x32xf32, #tpu.memory_space<vmem>>) offsets(%dma_start3A_197 : memref<512xi32, #tpu.memory_space<vmem>>) semaphore(%arg14 : memref<!tpu.dma_semaphore, #tpu.memory_space<semaphore_mem>>)
    %dma_wait3A_201 = arith.constant 0 : i32
    %dma_wait3A_202 = arith.constant 0 : i32
    %dma_wait3A_203 = tpu.memref_slice %arg6[%dma_wait3A_201, %dma_wait3A_202] : memref<10x512xi32, #tpu.memory_space<vmem>> -> memref<1x512xi32, #tpu.memory_space<vmem>>
    %dma_wait3A_204 = tpu.memref_squeeze %dma_wait3A_203 : memref<1x512xi32, #tpu.memory_space<vmem>> -> memref<512xi32, #tpu.memory_space<vmem>>
    %dma_wait3A_205 = arith.constant 0 : i32
    %dma_wait3A_206 = arith.constant 0 : i32
    %dma_wait3A_207 = tpu.memref_slice %arg2[%dma_wait3A_205, %dma_wait3A_206] : memref<10000x32xf32, #tpu.memory_space<hbm>> -> memref<10000x32xf32, #tpu.memory_space<hbm>>
    tpu.wait_indirect_dma semaphore(%arg15 : memref<!tpu.dma_semaphore, #tpu.memory_space<semaphore_mem>>) src(%dma_wait3A_207 : memref<10000x32xf32, #tpu.memory_space<hbm>>) dst(%arg9 : memref<512x32xf32, #tpu.memory_space<vmem>>)
    %dma_start3A_208 = arith.constant 5 : i32
    %dma_start3A_209 = arith.constant 0 : i32
    %dma_start3A_210 = tpu.memref_slice %arg7[%dma_start3A_208, %dma_start3A_209] : memref<10x512xi32, #tpu.memory_space<vmem>> -> memref<1x512xi32, #tpu.memory_space<vmem>>
    %dma_start3A_211 = tpu.memref_squeeze %dma_start3A_210 : memref<1x512xi32, #tpu.memory_space<vmem>> -> memref<512xi32, #tpu.memory_space<vmem>>
    %dma_start3A_212 = arith.constant 0 : i32
    %dma_start3A_213 = arith.constant 0 : i32
    %dma_start3A_214 = tpu.memref_slice %arg13[%dma_start3A_212, %dma_start3A_213] : memref<10240x32xf32, #tpu.memory_space<vmem_shared>> -> memref<10240x32xf32, #tpu.memory_space<vmem_shared>>
    tpu.enqueue_indirect_dma source(%arg9 : memref<512x32xf32, #tpu.memory_space<vmem>>) target(%dma_start3A_214 : memref<10240x32xf32, #tpu.memory_space<vmem_shared>>) offsets(%dma_start3A_211 : memref<512xi32, #tpu.memory_space<vmem>>) semaphore(%arg19 : memref<!tpu.dma_semaphore, #tpu.memory_space<semaphore_mem>>) {add = true}
    %dma_wait3A_215 = arith.constant 0 : i32
    %dma_wait3A_216 = arith.constant 0 : i32
    %dma_wait3A_217 = tpu.memref_slice %arg7[%dma_wait3A_215, %dma_wait3A_216] : memref<10x512xi32, #tpu.memory_space<vmem>> -> memref<1x512xi32, #tpu.memory_space<vmem>>
    %dma_wait3A_218 = tpu.memref_squeeze %dma_wait3A_217 : memref<1x512xi32, #tpu.memory_space<vmem>> -> memref<512xi32, #tpu.memory_space<vmem>>
    %dma_wait3A_219 = arith.constant 0 : i32
    %dma_wait3A_220 = arith.constant 0 : i32
    %dma_wait3A_221 = tpu.memref_slice %arg13[%dma_wait3A_219, %dma_wait3A_220] : memref<10240x32xf32, #tpu.memory_space<vmem_shared>> -> memref<10240x32xf32, #tpu.memory_space<vmem_shared>>
    tpu.wait_indirect_dma semaphore(%arg19 : memref<!tpu.dma_semaphore, #tpu.memory_space<semaphore_mem>>) src(%arg9 : memref<512x32xf32, #tpu.memory_space<vmem>>) dst(%dma_wait3A_221 : memref<10240x32xf32, #tpu.memory_space<vmem_shared>>)
    %dma_start3A_222 = arith.constant 9 : i32
    %dma_start3A_223 = arith.constant 0 : i32
    %dma_start3A_224 = tpu.memref_slice %arg6[%dma_start3A_222, %dma_start3A_223] : memref<10x512xi32, #tpu.memory_space<vmem>> -> memref<1x512xi32, #tpu.memory_space<vmem>>
    %dma_start3A_225 = tpu.memref_squeeze %dma_start3A_224 : memref<1x512xi32, #tpu.memory_space<vmem>> -> memref<512xi32, #tpu.memory_space<vmem>>
    %dma_start3A_226 = arith.constant 0 : i32
    %dma_start3A_227 = arith.constant 0 : i32
    %dma_start3A_228 = tpu.memref_slice %arg2[%dma_start3A_226, %dma_start3A_227] : memref<10000x32xf32, #tpu.memory_space<hbm>> -> memref<10000x32xf32, #tpu.memory_space<hbm>>
    tpu.enqueue_indirect_dma source(%dma_start3A_228 : memref<10000x32xf32, #tpu.memory_space<hbm>>) target(%arg9 : memref<512x32xf32, #tpu.memory_space<vmem>>) offsets(%dma_start3A_225 : memref<512xi32, #tpu.memory_space<vmem>>) semaphore(%arg15 : memref<!tpu.dma_semaphore, #tpu.memory_space<semaphore_mem>>)
    %dma_wait3A_229 = arith.constant 0 : i32
    %dma_wait3A_230 = arith.constant 0 : i32
    %dma_wait3A_231 = tpu.memref_slice %arg6[%dma_wait3A_229, %dma_wait3A_230] : memref<10x512xi32, #tpu.memory_space<vmem>> -> memref<1x512xi32, #tpu.memory_space<vmem>>
    %dma_wait3A_232 = tpu.memref_squeeze %dma_wait3A_231 : memref<1x512xi32, #tpu.memory_space<vmem>> -> memref<512xi32, #tpu.memory_space<vmem>>
    %dma_wait3A_233 = arith.constant 0 : i32
    %dma_wait3A_234 = arith.constant 0 : i32
    %dma_wait3A_235 = tpu.memref_slice %arg2[%dma_wait3A_233, %dma_wait3A_234] : memref<10000x32xf32, #tpu.memory_space<hbm>> -> memref<10000x32xf32, #tpu.memory_space<hbm>>
    tpu.wait_indirect_dma semaphore(%arg16 : memref<!tpu.dma_semaphore, #tpu.memory_space<semaphore_mem>>) src(%dma_wait3A_235 : memref<10000x32xf32, #tpu.memory_space<hbm>>) dst(%arg10 : memref<512x32xf32, #tpu.memory_space<vmem>>)
    %dma_start3A_236 = arith.constant 6 : i32
    %dma_start3A_237 = arith.constant 0 : i32
    %dma_start3A_238 = tpu.memref_slice %arg7[%dma_start3A_236, %dma_start3A_237] : memref<10x512xi32, #tpu.memory_space<vmem>> -> memref<1x512xi32, #tpu.memory_space<vmem>>
    %dma_start3A_239 = tpu.memref_squeeze %dma_start3A_238 : memref<1x512xi32, #tpu.memory_space<vmem>> -> memref<512xi32, #tpu.memory_space<vmem>>
    %dma_start3A_240 = arith.constant 0 : i32
    %dma_start3A_241 = arith.constant 0 : i32
    %dma_start3A_242 = tpu.memref_slice %arg13[%dma_start3A_240, %dma_start3A_241] : memref<10240x32xf32, #tpu.memory_space<vmem_shared>> -> memref<10240x32xf32, #tpu.memory_space<vmem_shared>>
    tpu.enqueue_indirect_dma source(%arg10 : memref<512x32xf32, #tpu.memory_space<vmem>>) target(%dma_start3A_242 : memref<10240x32xf32, #tpu.memory_space<vmem_shared>>) offsets(%dma_start3A_239 : memref<512xi32, #tpu.memory_space<vmem>>) semaphore(%arg20 : memref<!tpu.dma_semaphore, #tpu.memory_space<semaphore_mem>>) {add = true}
    %dma_wait3A_243 = arith.constant 0 : i32
    %dma_wait3A_244 = arith.constant 0 : i32
    %dma_wait3A_245 = tpu.memref_slice %arg6[%dma_wait3A_243, %dma_wait3A_244] : memref<10x512xi32, #tpu.memory_space<vmem>> -> memref<1x512xi32, #tpu.memory_space<vmem>>
    %dma_wait3A_246 = tpu.memref_squeeze %dma_wait3A_245 : memref<1x512xi32, #tpu.memory_space<vmem>> -> memref<512xi32, #tpu.memory_space<vmem>>
    %dma_wait3A_247 = arith.constant 0 : i32
    %dma_wait3A_248 = arith.constant 0 : i32
    %dma_wait3A_249 = tpu.memref_slice %arg2[%dma_wait3A_247, %dma_wait3A_248] : memref<10000x32xf32, #tpu.memory_space<hbm>> -> memref<10000x32xf32, #tpu.memory_space<hbm>>
    tpu.wait_indirect_dma semaphore(%arg17 : memref<!tpu.dma_semaphore, #tpu.memory_space<semaphore_mem>>) src(%dma_wait3A_249 : memref<10000x32xf32, #tpu.memory_space<hbm>>) dst(%arg11 : memref<512x32xf32, #tpu.memory_space<vmem>>)
    %dma_start3A_250 = arith.constant 7 : i32
    %dma_start3A_251 = arith.constant 0 : i32
    %dma_start3A_252 = tpu.memref_slice %arg7[%dma_start3A_250, %dma_start3A_251] : memref<10x512xi32, #tpu.memory_space<vmem>> -> memref<1x512xi32, #tpu.memory_space<vmem>>
    %dma_start3A_253 = tpu.memref_squeeze %dma_start3A_252 : memref<1x512xi32, #tpu.memory_space<vmem>> -> memref<512xi32, #tpu.memory_space<vmem>>
    %dma_start3A_254 = arith.constant 0 : i32
    %dma_start3A_255 = arith.constant 0 : i32
    %dma_start3A_256 = tpu.memref_slice %arg13[%dma_start3A_254, %dma_start3A_255] : memref<10240x32xf32, #tpu.memory_space<vmem_shared>> -> memref<10240x32xf32, #tpu.memory_space<vmem_shared>>
    tpu.enqueue_indirect_dma source(%arg11 : memref<512x32xf32, #tpu.memory_space<vmem>>) target(%dma_start3A_256 : memref<10240x32xf32, #tpu.memory_space<vmem_shared>>) offsets(%dma_start3A_253 : memref<512xi32, #tpu.memory_space<vmem>>) semaphore(%arg21 : memref<!tpu.dma_semaphore, #tpu.memory_space<semaphore_mem>>) {add = true}
    %dma_wait3A_257 = arith.constant 0 : i32
    %dma_wait3A_258 = arith.constant 0 : i32
    %dma_wait3A_259 = tpu.memref_slice %arg6[%dma_wait3A_257, %dma_wait3A_258] : memref<10x512xi32, #tpu.memory_space<vmem>> -> memref<1x512xi32, #tpu.memory_space<vmem>>
    %dma_wait3A_260 = tpu.memref_squeeze %dma_wait3A_259 : memref<1x512xi32, #tpu.memory_space<vmem>> -> memref<512xi32, #tpu.memory_space<vmem>>
    %dma_wait3A_261 = arith.constant 0 : i32
    %dma_wait3A_262 = arith.constant 0 : i32
    %dma_wait3A_263 = tpu.memref_slice %arg2[%dma_wait3A_261, %dma_wait3A_262] : memref<10000x32xf32, #tpu.memory_space<hbm>> -> memref<10000x32xf32, #tpu.memory_space<hbm>>
    tpu.wait_indirect_dma semaphore(%arg14 : memref<!tpu.dma_semaphore, #tpu.memory_space<semaphore_mem>>) src(%dma_wait3A_263 : memref<10000x32xf32, #tpu.memory_space<hbm>>) dst(%arg8 : memref<512x32xf32, #tpu.memory_space<vmem>>)
    %dma_start3A_264 = arith.constant 8 : i32
    %dma_start3A_265 = arith.constant 0 : i32
    %dma_start3A_266 = tpu.memref_slice %arg7[%dma_start3A_264, %dma_start3A_265] : memref<10x512xi32, #tpu.memory_space<vmem>> -> memref<1x512xi32, #tpu.memory_space<vmem>>
    %dma_start3A_267 = tpu.memref_squeeze %dma_start3A_266 : memref<1x512xi32, #tpu.memory_space<vmem>> -> memref<512xi32, #tpu.memory_space<vmem>>
    %dma_start3A_268 = arith.constant 0 : i32
    %dma_start3A_269 = arith.constant 0 : i32
    %dma_start3A_270 = tpu.memref_slice %arg13[%dma_start3A_268, %dma_start3A_269] : memref<10240x32xf32, #tpu.memory_space<vmem_shared>> -> memref<10240x32xf32, #tpu.memory_space<vmem_shared>>
    tpu.enqueue_indirect_dma source(%arg8 : memref<512x32xf32, #tpu.memory_space<vmem>>) target(%dma_start3A_270 : memref<10240x32xf32, #tpu.memory_space<vmem_shared>>) offsets(%dma_start3A_267 : memref<512xi32, #tpu.memory_space<vmem>>) semaphore(%arg18 : memref<!tpu.dma_semaphore, #tpu.memory_space<semaphore_mem>>) {add = true}
    %dma_wait3A_271 = arith.constant 0 : i32
    %dma_wait3A_272 = arith.constant 0 : i32
    %dma_wait3A_273 = tpu.memref_slice %arg6[%dma_wait3A_271, %dma_wait3A_272] : memref<10x512xi32, #tpu.memory_space<vmem>> -> memref<1x512xi32, #tpu.memory_space<vmem>>
    %dma_wait3A_274 = tpu.memref_squeeze %dma_wait3A_273 : memref<1x512xi32, #tpu.memory_space<vmem>> -> memref<512xi32, #tpu.memory_space<vmem>>
    %dma_wait3A_275 = arith.constant 0 : i32
    %dma_wait3A_276 = arith.constant 0 : i32
    %dma_wait3A_277 = tpu.memref_slice %arg2[%dma_wait3A_275, %dma_wait3A_276] : memref<10000x32xf32, #tpu.memory_space<hbm>> -> memref<10000x32xf32, #tpu.memory_space<hbm>>
    tpu.wait_indirect_dma semaphore(%arg15 : memref<!tpu.dma_semaphore, #tpu.memory_space<semaphore_mem>>) src(%dma_wait3A_277 : memref<10000x32xf32, #tpu.memory_space<hbm>>) dst(%arg9 : memref<512x32xf32, #tpu.memory_space<vmem>>)
    %dma_start3A_278 = arith.constant 9 : i32
    %dma_start3A_279 = arith.constant 0 : i32
    %dma_start3A_280 = tpu.memref_slice %arg7[%dma_start3A_278, %dma_start3A_279] : memref<10x512xi32, #tpu.memory_space<vmem>> -> memref<1x512xi32, #tpu.memory_space<vmem>>
    %dma_start3A_281 = tpu.memref_squeeze %dma_start3A_280 : memref<1x512xi32, #tpu.memory_space<vmem>> -> memref<512xi32, #tpu.memory_space<vmem>>
    %dma_start3A_282 = arith.constant 0 : i32
    %dma_start3A_283 = arith.constant 0 : i32
    %dma_start3A_284 = tpu.memref_slice %arg13[%dma_start3A_282, %dma_start3A_283] : memref<10240x32xf32, #tpu.memory_space<vmem_shared>> -> memref<10240x32xf32, #tpu.memory_space<vmem_shared>>
    tpu.enqueue_indirect_dma source(%arg9 : memref<512x32xf32, #tpu.memory_space<vmem>>) target(%dma_start3A_284 : memref<10240x32xf32, #tpu.memory_space<vmem_shared>>) offsets(%dma_start3A_281 : memref<512xi32, #tpu.memory_space<vmem>>) semaphore(%arg19 : memref<!tpu.dma_semaphore, #tpu.memory_space<semaphore_mem>>) {add = true}
    %dma_wait3A_285 = arith.constant 0 : i32
    %dma_wait3A_286 = arith.constant 0 : i32
    %dma_wait3A_287 = tpu.memref_slice %arg7[%dma_wait3A_285, %dma_wait3A_286] : memref<10x512xi32, #tpu.memory_space<vmem>> -> memref<1x512xi32, #tpu.memory_space<vmem>>
    %dma_wait3A_288 = tpu.memref_squeeze %dma_wait3A_287 : memref<1x512xi32, #tpu.memory_space<vmem>> -> memref<512xi32, #tpu.memory_space<vmem>>
    %dma_wait3A_289 = arith.constant 0 : i32
    %dma_wait3A_290 = arith.constant 0 : i32
    %dma_wait3A_291 = tpu.memref_slice %arg13[%dma_wait3A_289, %dma_wait3A_290] : memref<10240x32xf32, #tpu.memory_space<vmem_shared>> -> memref<10240x32xf32, #tpu.memory_space<vmem_shared>>
    tpu.wait_indirect_dma semaphore(%arg20 : memref<!tpu.dma_semaphore, #tpu.memory_space<semaphore_mem>>) src(%arg10 : memref<512x32xf32, #tpu.memory_space<vmem>>) dst(%dma_wait3A_291 : memref<10240x32xf32, #tpu.memory_space<vmem_shared>>)
    %dma_wait3A_292 = arith.constant 0 : i32
    %dma_wait3A_293 = arith.constant 0 : i32
    %dma_wait3A_294 = tpu.memref_slice %arg7[%dma_wait3A_292, %dma_wait3A_293] : memref<10x512xi32, #tpu.memory_space<vmem>> -> memref<1x512xi32, #tpu.memory_space<vmem>>
    %dma_wait3A_295 = tpu.memref_squeeze %dma_wait3A_294 : memref<1x512xi32, #tpu.memory_space<vmem>> -> memref<512xi32, #tpu.memory_space<vmem>>
    %dma_wait3A_296 = arith.constant 0 : i32
    %dma_wait3A_297 = arith.constant 0 : i32
    %dma_wait3A_298 = tpu.memref_slice %arg13[%dma_wait3A_296, %dma_wait3A_297] : memref<10240x32xf32, #tpu.memory_space<vmem_shared>> -> memref<10240x32xf32, #tpu.memory_space<vmem_shared>>
    tpu.wait_indirect_dma semaphore(%arg21 : memref<!tpu.dma_semaphore, #tpu.memory_space<semaphore_mem>>) src(%arg11 : memref<512x32xf32, #tpu.memory_space<vmem>>) dst(%dma_wait3A_298 : memref<10240x32xf32, #tpu.memory_space<vmem_shared>>)
    %dma_wait3A_299 = arith.constant 0 : i32
    %dma_wait3A_300 = arith.constant 0 : i32
    %dma_wait3A_301 = tpu.memref_slice %arg7[%dma_wait3A_299, %dma_wait3A_300] : memref<10x512xi32, #tpu.memory_space<vmem>> -> memref<1x512xi32, #tpu.memory_space<vmem>>
    %dma_wait3A_302 = tpu.memref_squeeze %dma_wait3A_301 : memref<1x512xi32, #tpu.memory_space<vmem>> -> memref<512xi32, #tpu.memory_space<vmem>>
    %dma_wait3A_303 = arith.constant 0 : i32
    %dma_wait3A_304 = arith.constant 0 : i32
    %dma_wait3A_305 = tpu.memref_slice %arg13[%dma_wait3A_303, %dma_wait3A_304] : memref<10240x32xf32, #tpu.memory_space<vmem_shared>> -> memref<10240x32xf32, #tpu.memory_space<vmem_shared>>
    tpu.wait_indirect_dma semaphore(%arg18 : memref<!tpu.dma_semaphore, #tpu.memory_space<semaphore_mem>>) src(%arg8 : memref<512x32xf32, #tpu.memory_space<vmem>>) dst(%dma_wait3A_305 : memref<10240x32xf32, #tpu.memory_space<vmem_shared>>)
    %dma_wait3A_306 = arith.constant 0 : i32
    %dma_wait3A_307 = arith.constant 0 : i32
    %dma_wait3A_308 = tpu.memref_slice %arg7[%dma_wait3A_306, %dma_wait3A_307] : memref<10x512xi32, #tpu.memory_space<vmem>> -> memref<1x512xi32, #tpu.memory_space<vmem>>
    %dma_wait3A_309 = tpu.memref_squeeze %dma_wait3A_308 : memref<1x512xi32, #tpu.memory_space<vmem>> -> memref<512xi32, #tpu.memory_space<vmem>>
    %dma_wait3A_310 = arith.constant 0 : i32
    %dma_wait3A_311 = arith.constant 0 : i32
    %dma_wait3A_312 = tpu.memref_slice %arg13[%dma_wait3A_310, %dma_wait3A_311] : memref<10240x32xf32, #tpu.memory_space<vmem_shared>> -> memref<10240x32xf32, #tpu.memory_space<vmem_shared>>
    tpu.wait_indirect_dma semaphore(%arg19 : memref<!tpu.dma_semaphore, #tpu.memory_space<semaphore_mem>>) src(%arg9 : memref<512x32xf32, #tpu.memory_space<vmem>>) dst(%dma_wait3A_312 : memref<10240x32xf32, #tpu.memory_space<vmem_shared>>)
    %barrier3A_313 = arith.constant 0 : index
    tpu.barrier barrier_id(%barrier3A_313)
    %mul3A_314 = arith.constant 640 : i32
    %mul3A_315 = arith.muli %arg1, %mul3A_314 : i32
    "tpu.region"() ({
      %run_scoped3A = tpu.sem_alloc : memref<!tpu.dma_semaphore, #tpu.memory_space<semaphore_mem>>
      %dma_start3A_320 = arith.constant 0 : i32
      %dma_start3A_321 = tpu.memref_slice %arg13[%mul3A_315, %dma_start3A_320] : memref<10240x32xf32, #tpu.memory_space<vmem_shared>> -> memref<640x32xf32, #tpu.memory_space<vmem_shared>>
      %dma_start3A_322 = arith.constant 0 : i32
      %dma_start3A_323 = tpu.memref_slice %arg13[%mul3A_315, %dma_start3A_322] : memref<10240x32xf32, #tpu.memory_space<vmem_shared>> -> memref<640x32xf32, #tpu.memory_space<vmem_shared>>
      tpu.enqueue_dma source(%dma_start3A_323 : memref<640x32xf32, #tpu.memory_space<vmem_shared>>) target(%arg12 : memref<640x32xf32, #tpu.memory_space<vmem>>) target_semaphore(%run_scoped3A : memref<!tpu.dma_semaphore, #tpu.memory_space<semaphore_mem>>)
      %dma_wait3A_324 = arith.constant 0 : i32
      %dma_wait3A_325 = tpu.memref_slice %arg13[%mul3A_315, %dma_wait3A_324] : memref<10240x32xf32, #tpu.memory_space<vmem_shared>> -> memref<640x32xf32, #tpu.memory_space<vmem_shared>>
      %dma_wait3A_326 = arith.constant 0 : i32
      %dma_wait3A_327 = tpu.memref_slice %arg13[%mul3A_315, %dma_wait3A_326] : memref<10240x32xf32, #tpu.memory_space<vmem_shared>> -> memref<640x32xf32, #tpu.memory_space<vmem_shared>>
      tpu.wait_dma2 semaphore(%run_scoped3A : memref<!tpu.dma_semaphore, #tpu.memory_space<semaphore_mem>>) src(%dma_wait3A_327 : memref<640x32xf32, #tpu.memory_space<vmem_shared>>) dst(%arg12 : memref<640x32xf32, #tpu.memory_space<vmem>>)
      tpu.yield
    }) : () -> ()
    %mul3A_316 = arith.constant 640 : i32
    %mul3A_317 = arith.muli %arg1, %mul3A_316 : i32
    %mul3A_318 = arith.constant 32 : i32
    %mul3A_319 = arith.muli %arg0, %mul3A_318 : i32
    "tpu.region"() ({
      %run_scoped3A = tpu.sem_alloc : memref<!tpu.dma_semaphore, #tpu.memory_space<semaphore_mem>>
      %dma_start3A_320 = tpu.memref_slice %arg5[%mul3A_317, %mul3A_319] : memref<10240x128xf32, #tpu.memory_space<hbm>> -> memref<640x32xf32, #tpu.memory_space<hbm>>
      %dma_start3A_321 = tpu.memref_slice %arg5[%mul3A_317, %mul3A_319] : memref<10240x128xf32, #tpu.memory_space<hbm>> -> memref<640x32xf32, #tpu.memory_space<hbm>>
      tpu.enqueue_dma source(%arg12 : memref<640x32xf32, #tpu.memory_space<vmem>>) target(%dma_start3A_321 : memref<640x32xf32, #tpu.memory_space<hbm>>) target_semaphore(%run_scoped3A : memref<!tpu.dma_semaphore, #tpu.memory_space<semaphore_mem>>)
      %dma_wait3A_322 = tpu.memref_slice %arg5[%mul3A_317, %mul3A_319] : memref<10240x128xf32, #tpu.memory_space<hbm>> -> memref<640x32xf32, #tpu.memory_space<hbm>>
      %dma_wait3A_323 = tpu.memref_slice %arg5[%mul3A_317, %mul3A_319] : memref<10240x128xf32, #tpu.memory_space<hbm>> -> memref<640x32xf32, #tpu.memory_space<hbm>>
      tpu.wait_dma2 semaphore(%run_scoped3A : memref<!tpu.dma_semaphore, #tpu.memory_space<semaphore_mem>>) src(%arg12 : memref<640x32xf32, #tpu.memory_space<vmem>>) dst(%dma_wait3A_323 : memref<640x32xf32, #tpu.memory_space<hbm>>)
      tpu.yield
    }) : () -> ()
    return
  }
}

#map = affine_map<(d0, d1) -> (0, 0)>
module attributes {stable_mosaic.version = 14 : i64} {
  func.func @body(%arg0: i32, %arg1: i32, %arg2: memref<10000x16xf32, #tpu.memory_space<hbm>>, %arg3: memref<320x512xi32, #tpu.memory_space<hbm>>, %arg4: memref<320x512xi32, #tpu.memory_space<hbm>>, %arg5: memref<10240x128xf32, #tpu.memory_space<hbm>>, %arg6: memref<10x512xi32, #tpu.memory_space<vmem>>, %arg7: memref<10x512xi32, #tpu.memory_space<vmem>>, %arg8: memref<512x16xf32, #tpu.memory_space<vmem>>, %arg9: memref<512x16xf32, #tpu.memory_space<vmem>>, %arg10: memref<512x16xf32, #tpu.memory_space<vmem>>, %arg11: memref<512x16xf32, #tpu.memory_space<vmem>>, %arg12: memref<640x16xf32, #tpu.memory_space<vmem>>, %arg13: memref<10240x16xf32, #tpu.memory_space<vmem_shared>>, %arg14: memref<!tpu.dma_semaphore, #tpu.memory_space<semaphore_mem>>, %arg15: memref<!tpu.dma_semaphore, #tpu.memory_space<semaphore_mem>>, %arg16: memref<!tpu.dma_semaphore, #tpu.memory_space<semaphore_mem>>, %arg17: memref<!tpu.dma_semaphore, #tpu.memory_space<semaphore_mem>>, %arg18: memref<!tpu.dma_semaphore, #tpu.memory_space<semaphore_mem>>, %arg19: memref<!tpu.dma_semaphore, #tpu.memory_space<semaphore_mem>>, %arg20: memref<!tpu.dma_semaphore, #tpu.memory_space<semaphore_mem>>, %arg21: memref<!tpu.dma_semaphore, #tpu.memory_space<semaphore_mem>>) attributes {dimension_semantics = [#tpu.dimension_semantics<core_parallel>, #tpu.dimension_semantics<subcore_parallel>], iteration_bounds = array<i64: 2, 16>, scalar_prefetch = 0 : i64, scratch_operands = 16 : i64, tpu.core_type = #tpu.core_type<sc_vector_subcore>, window_params = [{transform_indices = #map}, {transform_indices = #map}, {transform_indices = #map}, {transform_indices = #map}]} {
    %mul3A = arith.constant 16 : i32
    %mul3A_0 = arith.muli %arg0, %mul3A : i32
    %add3A = arith.addi %mul3A_0, %arg1 : i32
    %iota3A = tpu.iota {dimensions = array<i32: 0>} : vector<16xi32>
    %convert_element_type3A = arith.sitofp %iota3A : vector<16xi32> to vector<16xf32>
    %mul3A_1 = arith.constant 0.000000e+00 : f32
    %mul3A_2 = vector.broadcast %mul3A_1 : f32 to vector<16xf32>
    %mul3A_3 = arith.mulf %convert_element_type3A, %mul3A_2 : vector<16xf32>
    %mul3A_4 = arith.constant 10 : i32
    %mul3A_5 = arith.muli %add3A, %mul3A_4 : i32
    %dma_start3A = arith.constant 0 : i32
    %dma_start3A_6 = tpu.memref_slice %arg3[%mul3A_5, %dma_start3A] : memref<320x512xi32, #tpu.memory_space<hbm>> -> memref<10x512xi32, #tpu.memory_space<hbm>>
    %dma_start3A_7 = arith.constant 0 : i32
    %dma_start3A_8 = tpu.memref_slice %arg3[%mul3A_5, %dma_start3A_7] : memref<320x512xi32, #tpu.memory_space<hbm>> -> memref<10x512xi32, #tpu.memory_space<hbm>>
    tpu.enqueue_dma source(%dma_start3A_8 : memref<10x512xi32, #tpu.memory_space<hbm>>) target(%arg6 : memref<10x512xi32, #tpu.memory_space<vmem>>) target_semaphore(%arg14 : memref<!tpu.dma_semaphore, #tpu.memory_space<semaphore_mem>>)
    %mul3A_9 = arith.constant 10 : i32
    %mul3A_10 = arith.muli %add3A, %mul3A_9 : i32
    %dma_start3A_11 = arith.constant 0 : i32
    %dma_start3A_12 = tpu.memref_slice %arg4[%mul3A_10, %dma_start3A_11] : memref<320x512xi32, #tpu.memory_space<hbm>> -> memref<10x512xi32, #tpu.memory_space<hbm>>
    %dma_start3A_13 = arith.constant 0 : i32
    %dma_start3A_14 = tpu.memref_slice %arg4[%mul3A_10, %dma_start3A_13] : memref<320x512xi32, #tpu.memory_space<hbm>> -> memref<10x512xi32, #tpu.memory_space<hbm>>
    tpu.enqueue_dma source(%dma_start3A_14 : memref<10x512xi32, #tpu.memory_space<hbm>>) target(%arg7 : memref<10x512xi32, #tpu.memory_space<vmem>>) target_semaphore(%arg15 : memref<!tpu.dma_semaphore, #tpu.memory_space<semaphore_mem>>)
    %scan3A = arith.constant 0 : i32
    %scan3A_15 = arith.constant 0 : i32
    %scan3A_16 = arith.constant 640 : i32
    %scan3A_17 = arith.addi %scan3A_15, %scan3A_16 : i32
    %scan3A_18 = arith.constant 1 : i32
    scf.for %scan3A_320 = %scan3A_15 to %scan3A_17 step %scan3A_18  : i32 {
      %swap3A = arith.index_cast %scan3A_320 : i32 to index
      %swap3A_321 = arith.constant 0 : index
      %swap3A_322 = tpu.vector_load %arg12[%swap3A, %swap3A_321] {strides = array<i32>} : memref<640x16xf32, #tpu.memory_space<vmem>>, vector<16xf32>,
      tpu.vector_store %arg12[%swap3A, %swap3A_321], %mul3A_3 {strides = array<i32>} : memref<640x16xf32, #tpu.memory_space<vmem>>, vector<16xf32>,
    }
    %scan3A_19 = arith.constant 640 : i32
    %mul3A_20 = arith.constant 640 : i32
    %mul3A_21 = arith.muli %arg1, %mul3A_20 : i32
    "tpu.region"() ({
      %run_scoped3A = tpu.sem_alloc : memref<!tpu.dma_semaphore, #tpu.memory_space<semaphore_mem>>
      %dma_start3A_320 = arith.constant 0 : i32
      %dma_start3A_321 = tpu.memref_slice %arg13[%mul3A_21, %dma_start3A_320] : memref<10240x16xf32, #tpu.memory_space<vmem_shared>> -> memref<640x16xf32, #tpu.memory_space<vmem_shared>>
      %dma_start3A_322 = arith.constant 0 : i32
      %dma_start3A_323 = tpu.memref_slice %arg13[%mul3A_21, %dma_start3A_322] : memref<10240x16xf32, #tpu.memory_space<vmem_shared>> -> memref<640x16xf32, #tpu.memory_space<vmem_shared>>
      tpu.enqueue_dma source(%arg12 : memref<640x16xf32, #tpu.memory_space<vmem>>) target(%dma_start3A_323 : memref<640x16xf32, #tpu.memory_space<vmem_shared>>) target_semaphore(%run_scoped3A : memref<!tpu.dma_semaphore, #tpu.memory_space<semaphore_mem>>)
      %dma_wait3A_324 = arith.constant 0 : i32
      %dma_wait3A_325 = tpu.memref_slice %arg13[%mul3A_21, %dma_wait3A_324] : memref<10240x16xf32, #tpu.memory_space<vmem_shared>> -> memref<640x16xf32, #tpu.memory_space<vmem_shared>>
      %dma_wait3A_326 = arith.constant 0 : i32
      %dma_wait3A_327 = tpu.memref_slice %arg13[%mul3A_21, %dma_wait3A_326] : memref<10240x16xf32, #tpu.memory_space<vmem_shared>> -> memref<640x16xf32, #tpu.memory_space<vmem_shared>>
      tpu.wait_dma2 semaphore(%run_scoped3A : memref<!tpu.dma_semaphore, #tpu.memory_space<semaphore_mem>>) src(%arg12 : memref<640x16xf32, #tpu.memory_space<vmem>>) dst(%dma_wait3A_327 : memref<640x16xf32, #tpu.memory_space<vmem_shared>>)
      tpu.yield
    }) : () -> ()
    %mul3A_22 = arith.constant 10 : i32
    %mul3A_23 = arith.muli %add3A, %mul3A_22 : i32
    %dma_wait3A = arith.constant 0 : i32
    %dma_wait3A_24 = tpu.memref_slice %arg3[%mul3A_23, %dma_wait3A] : memref<320x512xi32, #tpu.memory_space<hbm>> -> memref<10x512xi32, #tpu.memory_space<hbm>>
    %dma_wait3A_25 = arith.constant 0 : i32
    %dma_wait3A_26 = tpu.memref_slice %arg3[%mul3A_23, %dma_wait3A_25] : memref<320x512xi32, #tpu.memory_space<hbm>> -> memref<10x512xi32, #tpu.memory_space<hbm>>
    tpu.wait_dma2 semaphore(%arg14 : memref<!tpu.dma_semaphore, #tpu.memory_space<semaphore_mem>>) src(%dma_wait3A_26 : memref<10x512xi32, #tpu.memory_space<hbm>>) dst(%arg6 : memref<10x512xi32, #tpu.memory_space<vmem>>)
    %mul3A_27 = arith.constant 10 : i32
    %mul3A_28 = arith.muli %add3A, %mul3A_27 : i32
    %dma_wait3A_29 = arith.constant 0 : i32
    %dma_wait3A_30 = tpu.memref_slice %arg4[%mul3A_28, %dma_wait3A_29] : memref<320x512xi32, #tpu.memory_space<hbm>> -> memref<10x512xi32, #tpu.memory_space<hbm>>
    %dma_wait3A_31 = arith.constant 0 : i32
    %dma_wait3A_32 = tpu.memref_slice %arg4[%mul3A_28, %dma_wait3A_31] : memref<320x512xi32, #tpu.memory_space<hbm>> -> memref<10x512xi32, #tpu.memory_space<hbm>>
    tpu.wait_dma2 semaphore(%arg15 : memref<!tpu.dma_semaphore, #tpu.memory_space<semaphore_mem>>) src(%dma_wait3A_32 : memref<10x512xi32, #tpu.memory_space<hbm>>) dst(%arg7 : memref<10x512xi32, #tpu.memory_space<vmem>>)
    %barrier3A = arith.constant 0 : index
    tpu.barrier barrier_id(%barrier3A)
    %dma_start3A_33 = arith.constant 0 : i32
    %dma_start3A_34 = arith.constant 0 : i32
    %dma_start3A_35 = tpu.memref_slice %arg6[%dma_start3A_33, %dma_start3A_34] : memref<10x512xi32, #tpu.memory_space<vmem>> -> memref<1x512xi32, #tpu.memory_space<vmem>>
    %dma_start3A_36 = tpu.memref_squeeze %dma_start3A_35 : memref<1x512xi32, #tpu.memory_space<vmem>> -> memref<512xi32, #tpu.memory_space<vmem>>
    %dma_start3A_37 = arith.constant 0 : i32
    %dma_start3A_38 = arith.constant 0 : i32
    %dma_start3A_39 = tpu.memref_slice %arg2[%dma_start3A_37, %dma_start3A_38] : memref<10000x16xf32, #tpu.memory_space<hbm>> -> memref<10000x16xf32, #tpu.memory_space<hbm>>
    tpu.enqueue_indirect_dma source(%dma_start3A_39 : memref<10000x16xf32, #tpu.memory_space<hbm>>) target(%arg8 : memref<512x16xf32, #tpu.memory_space<vmem>>) offsets(%dma_start3A_36 : memref<512xi32, #tpu.memory_space<vmem>>) semaphore(%arg14 : memref<!tpu.dma_semaphore, #tpu.memory_space<semaphore_mem>>)
    %dma_start3A_40 = arith.constant 1 : i32
    %dma_start3A_41 = arith.constant 0 : i32
    %dma_start3A_42 = tpu.memref_slice %arg6[%dma_start3A_40, %dma_start3A_41] : memref<10x512xi32, #tpu.memory_space<vmem>> -> memref<1x512xi32, #tpu.memory_space<vmem>>
    %dma_start3A_43 = tpu.memref_squeeze %dma_start3A_42 : memref<1x512xi32, #tpu.memory_space<vmem>> -> memref<512xi32, #tpu.memory_space<vmem>>
    %dma_start3A_44 = arith.constant 0 : i32
    %dma_start3A_45 = arith.constant 0 : i32
    %dma_start3A_46 = tpu.memref_slice %arg2[%dma_start3A_44, %dma_start3A_45] : memref<10000x16xf32, #tpu.memory_space<hbm>> -> memref<10000x16xf32, #tpu.memory_space<hbm>>
    tpu.enqueue_indirect_dma source(%dma_start3A_46 : memref<10000x16xf32, #tpu.memory_space<hbm>>) target(%arg9 : memref<512x16xf32, #tpu.memory_space<vmem>>) offsets(%dma_start3A_43 : memref<512xi32, #tpu.memory_space<vmem>>) semaphore(%arg15 : memref<!tpu.dma_semaphore, #tpu.memory_space<semaphore_mem>>)
    %dma_start3A_47 = arith.constant 2 : i32
    %dma_start3A_48 = arith.constant 0 : i32
    %dma_start3A_49 = tpu.memref_slice %arg6[%dma_start3A_47, %dma_start3A_48] : memref<10x512xi32, #tpu.memory_space<vmem>> -> memref<1x512xi32, #tpu.memory_space<vmem>>
    %dma_start3A_50 = tpu.memref_squeeze %dma_start3A_49 : memref<1x512xi32, #tpu.memory_space<vmem>> -> memref<512xi32, #tpu.memory_space<vmem>>
    %dma_start3A_51 = arith.constant 0 : i32
    %dma_start3A_52 = arith.constant 0 : i32
    %dma_start3A_53 = tpu.memref_slice %arg2[%dma_start3A_51, %dma_start3A_52] : memref<10000x16xf32, #tpu.memory_space<hbm>> -> memref<10000x16xf32, #tpu.memory_space<hbm>>
    tpu.enqueue_indirect_dma source(%dma_start3A_53 : memref<10000x16xf32, #tpu.memory_space<hbm>>) target(%arg10 : memref<512x16xf32, #tpu.memory_space<vmem>>) offsets(%dma_start3A_50 : memref<512xi32, #tpu.memory_space<vmem>>) semaphore(%arg16 : memref<!tpu.dma_semaphore, #tpu.memory_space<semaphore_mem>>)
    %dma_start3A_54 = arith.constant 3 : i32
    %dma_start3A_55 = arith.constant 0 : i32
    %dma_start3A_56 = tpu.memref_slice %arg6[%dma_start3A_54, %dma_start3A_55] : memref<10x512xi32, #tpu.memory_space<vmem>> -> memref<1x512xi32, #tpu.memory_space<vmem>>
    %dma_start3A_57 = tpu.memref_squeeze %dma_start3A_56 : memref<1x512xi32, #tpu.memory_space<vmem>> -> memref<512xi32, #tpu.memory_space<vmem>>
    %dma_start3A_58 = arith.constant 0 : i32
    %dma_start3A_59 = arith.constant 0 : i32
    %dma_start3A_60 = tpu.memref_slice %arg2[%dma_start3A_58, %dma_start3A_59] : memref<10000x16xf32, #tpu.memory_space<hbm>> -> memref<10000x16xf32, #tpu.memory_space<hbm>>
    tpu.enqueue_indirect_dma source(%dma_start3A_60 : memref<10000x16xf32, #tpu.memory_space<hbm>>) target(%arg11 : memref<512x16xf32, #tpu.memory_space<vmem>>) offsets(%dma_start3A_57 : memref<512xi32, #tpu.memory_space<vmem>>) semaphore(%arg17 : memref<!tpu.dma_semaphore, #tpu.memory_space<semaphore_mem>>)
    %dma_wait3A_61 = arith.constant 0 : i32
    %dma_wait3A_62 = arith.constant 0 : i32
    %dma_wait3A_63 = tpu.memref_slice %arg6[%dma_wait3A_61, %dma_wait3A_62] : memref<10x512xi32, #tpu.memory_space<vmem>> -> memref<1x512xi32, #tpu.memory_space<vmem>>
    %dma_wait3A_64 = tpu.memref_squeeze %dma_wait3A_63 : memref<1x512xi32, #tpu.memory_space<vmem>> -> memref<512xi32, #tpu.memory_space<vmem>>
    %dma_wait3A_65 = arith.constant 0 : i32
    %dma_wait3A_66 = arith.constant 0 : i32
    %dma_wait3A_67 = tpu.memref_slice %arg2[%dma_wait3A_65, %dma_wait3A_66] : memref<10000x16xf32, #tpu.memory_space<hbm>> -> memref<10000x16xf32, #tpu.memory_space<hbm>>
    tpu.wait_indirect_dma semaphore(%arg14 : memref<!tpu.dma_semaphore, #tpu.memory_space<semaphore_mem>>) src(%dma_wait3A_67 : memref<10000x16xf32, #tpu.memory_space<hbm>>) dst(%arg8 : memref<512x16xf32, #tpu.memory_space<vmem>>)
    %dma_start3A_68 = arith.constant 0 : i32
    %dma_start3A_69 = arith.constant 0 : i32
    %dma_start3A_70 = tpu.memref_slice %arg7[%dma_start3A_68, %dma_start3A_69] : memref<10x512xi32, #tpu.memory_space<vmem>> -> memref<1x512xi32, #tpu.memory_space<vmem>>
    %dma_start3A_71 = tpu.memref_squeeze %dma_start3A_70 : memref<1x512xi32, #tpu.memory_space<vmem>> -> memref<512xi32, #tpu.memory_space<vmem>>
    %dma_start3A_72 = arith.constant 0 : i32
    %dma_start3A_73 = arith.constant 0 : i32
    %dma_start3A_74 = tpu.memref_slice %arg13[%dma_start3A_72, %dma_start3A_73] : memref<10240x16xf32, #tpu.memory_space<vmem_shared>> -> memref<10240x16xf32, #tpu.memory_space<vmem_shared>>
    tpu.enqueue_indirect_dma source(%arg8 : memref<512x16xf32, #tpu.memory_space<vmem>>) target(%dma_start3A_74 : memref<10240x16xf32, #tpu.memory_space<vmem_shared>>) offsets(%dma_start3A_71 : memref<512xi32, #tpu.memory_space<vmem>>) semaphore(%arg18 : memref<!tpu.dma_semaphore, #tpu.memory_space<semaphore_mem>>) {add = true}
    %dma_wait3A_75 = arith.constant 0 : i32
    %dma_wait3A_76 = arith.constant 0 : i32
    %dma_wait3A_77 = tpu.memref_slice %arg7[%dma_wait3A_75, %dma_wait3A_76] : memref<10x512xi32, #tpu.memory_space<vmem>> -> memref<1x512xi32, #tpu.memory_space<vmem>>
    %dma_wait3A_78 = tpu.memref_squeeze %dma_wait3A_77 : memref<1x512xi32, #tpu.memory_space<vmem>> -> memref<512xi32, #tpu.memory_space<vmem>>
    %dma_wait3A_79 = arith.constant 0 : i32
    %dma_wait3A_80 = arith.constant 0 : i32
    %dma_wait3A_81 = tpu.memref_slice %arg13[%dma_wait3A_79, %dma_wait3A_80] : memref<10240x16xf32, #tpu.memory_space<vmem_shared>> -> memref<10240x16xf32, #tpu.memory_space<vmem_shared>>
    tpu.wait_indirect_dma semaphore(%arg18 : memref<!tpu.dma_semaphore, #tpu.memory_space<semaphore_mem>>) src(%arg8 : memref<512x16xf32, #tpu.memory_space<vmem>>) dst(%dma_wait3A_81 : memref<10240x16xf32, #tpu.memory_space<vmem_shared>>)
    %dma_start3A_82 = arith.constant 4 : i32
    %dma_start3A_83 = arith.constant 0 : i32
    %dma_start3A_84 = tpu.memref_slice %arg6[%dma_start3A_82, %dma_start3A_83] : memref<10x512xi32, #tpu.memory_space<vmem>> -> memref<1x512xi32, #tpu.memory_space<vmem>>
    %dma_start3A_85 = tpu.memref_squeeze %dma_start3A_84 : memref<1x512xi32, #tpu.memory_space<vmem>> -> memref<512xi32, #tpu.memory_space<vmem>>
    %dma_start3A_86 = arith.constant 0 : i32
    %dma_start3A_87 = arith.constant 0 : i32
    %dma_start3A_88 = tpu.memref_slice %arg2[%dma_start3A_86, %dma_start3A_87] : memref<10000x16xf32, #tpu.memory_space<hbm>> -> memref<10000x16xf32, #tpu.memory_space<hbm>>
    tpu.enqueue_indirect_dma source(%dma_start3A_88 : memref<10000x16xf32, #tpu.memory_space<hbm>>) target(%arg8 : memref<512x16xf32, #tpu.memory_space<vmem>>) offsets(%dma_start3A_85 : memref<512xi32, #tpu.memory_space<vmem>>) semaphore(%arg14 : memref<!tpu.dma_semaphore, #tpu.memory_space<semaphore_mem>>)
    %dma_wait3A_89 = arith.constant 0 : i32
    %dma_wait3A_90 = arith.constant 0 : i32
    %dma_wait3A_91 = tpu.memref_slice %arg6[%dma_wait3A_89, %dma_wait3A_90] : memref<10x512xi32, #tpu.memory_space<vmem>> -> memref<1x512xi32, #tpu.memory_space<vmem>>
    %dma_wait3A_92 = tpu.memref_squeeze %dma_wait3A_91 : memref<1x512xi32, #tpu.memory_space<vmem>> -> memref<512xi32, #tpu.memory_space<vmem>>
    %dma_wait3A_93 = arith.constant 0 : i32
    %dma_wait3A_94 = arith.constant 0 : i32
    %dma_wait3A_95 = tpu.memref_slice %arg2[%dma_wait3A_93, %dma_wait3A_94] : memref<10000x16xf32, #tpu.memory_space<hbm>> -> memref<10000x16xf32, #tpu.memory_space<hbm>>
    tpu.wait_indirect_dma semaphore(%arg15 : memref<!tpu.dma_semaphore, #tpu.memory_space<semaphore_mem>>) src(%dma_wait3A_95 : memref<10000x16xf32, #tpu.memory_space<hbm>>) dst(%arg9 : memref<512x16xf32, #tpu.memory_space<vmem>>)
    %dma_start3A_96 = arith.constant 1 : i32
    %dma_start3A_97 = arith.constant 0 : i32
    %dma_start3A_98 = tpu.memref_slice %arg7[%dma_start3A_96, %dma_start3A_97] : memref<10x512xi32, #tpu.memory_space<vmem>> -> memref<1x512xi32, #tpu.memory_space<vmem>>
    %dma_start3A_99 = tpu.memref_squeeze %dma_start3A_98 : memref<1x512xi32, #tpu.memory_space<vmem>> -> memref<512xi32, #tpu.memory_space<vmem>>
    %dma_start3A_100 = arith.constant 0 : i32
    %dma_start3A_101 = arith.constant 0 : i32
    %dma_start3A_102 = tpu.memref_slice %arg13[%dma_start3A_100, %dma_start3A_101] : memref<10240x16xf32, #tpu.memory_space<vmem_shared>> -> memref<10240x16xf32, #tpu.memory_space<vmem_shared>>
    tpu.enqueue_indirect_dma source(%arg9 : memref<512x16xf32, #tpu.memory_space<vmem>>) target(%dma_start3A_102 : memref<10240x16xf32, #tpu.memory_space<vmem_shared>>) offsets(%dma_start3A_99 : memref<512xi32, #tpu.memory_space<vmem>>) semaphore(%arg19 : memref<!tpu.dma_semaphore, #tpu.memory_space<semaphore_mem>>) {add = true}
    %dma_wait3A_103 = arith.constant 0 : i32
    %dma_wait3A_104 = arith.constant 0 : i32
    %dma_wait3A_105 = tpu.memref_slice %arg7[%dma_wait3A_103, %dma_wait3A_104] : memref<10x512xi32, #tpu.memory_space<vmem>> -> memref<1x512xi32, #tpu.memory_space<vmem>>
    %dma_wait3A_106 = tpu.memref_squeeze %dma_wait3A_105 : memref<1x512xi32, #tpu.memory_space<vmem>> -> memref<512xi32, #tpu.memory_space<vmem>>
    %dma_wait3A_107 = arith.constant 0 : i32
    %dma_wait3A_108 = arith.constant 0 : i32
    %dma_wait3A_109 = tpu.memref_slice %arg13[%dma_wait3A_107, %dma_wait3A_108] : memref<10240x16xf32, #tpu.memory_space<vmem_shared>> -> memref<10240x16xf32, #tpu.memory_space<vmem_shared>>
    tpu.wait_indirect_dma semaphore(%arg19 : memref<!tpu.dma_semaphore, #tpu.memory_space<semaphore_mem>>) src(%arg9 : memref<512x16xf32, #tpu.memory_space<vmem>>) dst(%dma_wait3A_109 : memref<10240x16xf32, #tpu.memory_space<vmem_shared>>)
    %dma_start3A_110 = arith.constant 5 : i32
    %dma_start3A_111 = arith.constant 0 : i32
    %dma_start3A_112 = tpu.memref_slice %arg6[%dma_start3A_110, %dma_start3A_111] : memref<10x512xi32, #tpu.memory_space<vmem>> -> memref<1x512xi32, #tpu.memory_space<vmem>>
    %dma_start3A_113 = tpu.memref_squeeze %dma_start3A_112 : memref<1x512xi32, #tpu.memory_space<vmem>> -> memref<512xi32, #tpu.memory_space<vmem>>
    %dma_start3A_114 = arith.constant 0 : i32
    %dma_start3A_115 = arith.constant 0 : i32
    %dma_start3A_116 = tpu.memref_slice %arg2[%dma_start3A_114, %dma_start3A_115] : memref<10000x16xf32, #tpu.memory_space<hbm>> -> memref<10000x16xf32, #tpu.memory_space<hbm>>
    tpu.enqueue_indirect_dma source(%dma_start3A_116 : memref<10000x16xf32, #tpu.memory_space<hbm>>) target(%arg9 : memref<512x16xf32, #tpu.memory_space<vmem>>) offsets(%dma_start3A_113 : memref<512xi32, #tpu.memory_space<vmem>>) semaphore(%arg15 : memref<!tpu.dma_semaphore, #tpu.memory_space<semaphore_mem>>)
    %dma_wait3A_117 = arith.constant 0 : i32
    %dma_wait3A_118 = arith.constant 0 : i32
    %dma_wait3A_119 = tpu.memref_slice %arg6[%dma_wait3A_117, %dma_wait3A_118] : memref<10x512xi32, #tpu.memory_space<vmem>> -> memref<1x512xi32, #tpu.memory_space<vmem>>
    %dma_wait3A_120 = tpu.memref_squeeze %dma_wait3A_119 : memref<1x512xi32, #tpu.memory_space<vmem>> -> memref<512xi32, #tpu.memory_space<vmem>>
    %dma_wait3A_121 = arith.constant 0 : i32
    %dma_wait3A_122 = arith.constant 0 : i32
    %dma_wait3A_123 = tpu.memref_slice %arg2[%dma_wait3A_121, %dma_wait3A_122] : memref<10000x16xf32, #tpu.memory_space<hbm>> -> memref<10000x16xf32, #tpu.memory_space<hbm>>
    tpu.wait_indirect_dma semaphore(%arg16 : memref<!tpu.dma_semaphore, #tpu.memory_space<semaphore_mem>>) src(%dma_wait3A_123 : memref<10000x16xf32, #tpu.memory_space<hbm>>) dst(%arg10 : memref<512x16xf32, #tpu.memory_space<vmem>>)
    %dma_start3A_124 = arith.constant 2 : i32
    %dma_start3A_125 = arith.constant 0 : i32
    %dma_start3A_126 = tpu.memref_slice %arg7[%dma_start3A_124, %dma_start3A_125] : memref<10x512xi32, #tpu.memory_space<vmem>> -> memref<1x512xi32, #tpu.memory_space<vmem>>
    %dma_start3A_127 = tpu.memref_squeeze %dma_start3A_126 : memref<1x512xi32, #tpu.memory_space<vmem>> -> memref<512xi32, #tpu.memory_space<vmem>>
    %dma_start3A_128 = arith.constant 0 : i32
    %dma_start3A_129 = arith.constant 0 : i32
    %dma_start3A_130 = tpu.memref_slice %arg13[%dma_start3A_128, %dma_start3A_129] : memref<10240x16xf32, #tpu.memory_space<vmem_shared>> -> memref<10240x16xf32, #tpu.memory_space<vmem_shared>>
    tpu.enqueue_indirect_dma source(%arg10 : memref<512x16xf32, #tpu.memory_space<vmem>>) target(%dma_start3A_130 : memref<10240x16xf32, #tpu.memory_space<vmem_shared>>) offsets(%dma_start3A_127 : memref<512xi32, #tpu.memory_space<vmem>>) semaphore(%arg20 : memref<!tpu.dma_semaphore, #tpu.memory_space<semaphore_mem>>) {add = true}
    %dma_wait3A_131 = arith.constant 0 : i32
    %dma_wait3A_132 = arith.constant 0 : i32
    %dma_wait3A_133 = tpu.memref_slice %arg7[%dma_wait3A_131, %dma_wait3A_132] : memref<10x512xi32, #tpu.memory_space<vmem>> -> memref<1x512xi32, #tpu.memory_space<vmem>>
    %dma_wait3A_134 = tpu.memref_squeeze %dma_wait3A_133 : memref<1x512xi32, #tpu.memory_space<vmem>> -> memref<512xi32, #tpu.memory_space<vmem>>
    %dma_wait3A_135 = arith.constant 0 : i32
    %dma_wait3A_136 = arith.constant 0 : i32
    %dma_wait3A_137 = tpu.memref_slice %arg13[%dma_wait3A_135, %dma_wait3A_136] : memref<10240x16xf32, #tpu.memory_space<vmem_shared>> -> memref<10240x16xf32, #tpu.memory_space<vmem_shared>>
    tpu.wait_indirect_dma semaphore(%arg20 : memref<!tpu.dma_semaphore, #tpu.memory_space<semaphore_mem>>) src(%arg10 : memref<512x16xf32, #tpu.memory_space<vmem>>) dst(%dma_wait3A_137 : memref<10240x16xf32, #tpu.memory_space<vmem_shared>>)
    %dma_start3A_138 = arith.constant 6 : i32
    %dma_start3A_139 = arith.constant 0 : i32
    %dma_start3A_140 = tpu.memref_slice %arg6[%dma_start3A_138, %dma_start3A_139] : memref<10x512xi32, #tpu.memory_space<vmem>> -> memref<1x512xi32, #tpu.memory_space<vmem>>
    %dma_start3A_141 = tpu.memref_squeeze %dma_start3A_140 : memref<1x512xi32, #tpu.memory_space<vmem>> -> memref<512xi32, #tpu.memory_space<vmem>>
    %dma_start3A_142 = arith.constant 0 : i32
    %dma_start3A_143 = arith.constant 0 : i32
    %dma_start3A_144 = tpu.memref_slice %arg2[%dma_start3A_142, %dma_start3A_143] : memref<10000x16xf32, #tpu.memory_space<hbm>> -> memref<10000x16xf32, #tpu.memory_space<hbm>>
    tpu.enqueue_indirect_dma source(%dma_start3A_144 : memref<10000x16xf32, #tpu.memory_space<hbm>>) target(%arg10 : memref<512x16xf32, #tpu.memory_space<vmem>>) offsets(%dma_start3A_141 : memref<512xi32, #tpu.memory_space<vmem>>) semaphore(%arg16 : memref<!tpu.dma_semaphore, #tpu.memory_space<semaphore_mem>>)
    %dma_wait3A_145 = arith.constant 0 : i32
    %dma_wait3A_146 = arith.constant 0 : i32
    %dma_wait3A_147 = tpu.memref_slice %arg6[%dma_wait3A_145, %dma_wait3A_146] : memref<10x512xi32, #tpu.memory_space<vmem>> -> memref<1x512xi32, #tpu.memory_space<vmem>>
    %dma_wait3A_148 = tpu.memref_squeeze %dma_wait3A_147 : memref<1x512xi32, #tpu.memory_space<vmem>> -> memref<512xi32, #tpu.memory_space<vmem>>
    %dma_wait3A_149 = arith.constant 0 : i32
    %dma_wait3A_150 = arith.constant 0 : i32
    %dma_wait3A_151 = tpu.memref_slice %arg2[%dma_wait3A_149, %dma_wait3A_150] : memref<10000x16xf32, #tpu.memory_space<hbm>> -> memref<10000x16xf32, #tpu.memory_space<hbm>>
    tpu.wait_indirect_dma semaphore(%arg17 : memref<!tpu.dma_semaphore, #tpu.memory_space<semaphore_mem>>) src(%dma_wait3A_151 : memref<10000x16xf32, #tpu.memory_space<hbm>>) dst(%arg11 : memref<512x16xf32, #tpu.memory_space<vmem>>)
    %dma_start3A_152 = arith.constant 3 : i32
    %dma_start3A_153 = arith.constant 0 : i32
    %dma_start3A_154 = tpu.memref_slice %arg7[%dma_start3A_152, %dma_start3A_153] : memref<10x512xi32, #tpu.memory_space<vmem>> -> memref<1x512xi32, #tpu.memory_space<vmem>>
    %dma_start3A_155 = tpu.memref_squeeze %dma_start3A_154 : memref<1x512xi32, #tpu.memory_space<vmem>> -> memref<512xi32, #tpu.memory_space<vmem>>
    %dma_start3A_156 = arith.constant 0 : i32
    %dma_start3A_157 = arith.constant 0 : i32
    %dma_start3A_158 = tpu.memref_slice %arg13[%dma_start3A_156, %dma_start3A_157] : memref<10240x16xf32, #tpu.memory_space<vmem_shared>> -> memref<10240x16xf32, #tpu.memory_space<vmem_shared>>
    tpu.enqueue_indirect_dma source(%arg11 : memref<512x16xf32, #tpu.memory_space<vmem>>) target(%dma_start3A_158 : memref<10240x16xf32, #tpu.memory_space<vmem_shared>>) offsets(%dma_start3A_155 : memref<512xi32, #tpu.memory_space<vmem>>) semaphore(%arg21 : memref<!tpu.dma_semaphore, #tpu.memory_space<semaphore_mem>>) {add = true}
    %dma_wait3A_159 = arith.constant 0 : i32
    %dma_wait3A_160 = arith.constant 0 : i32
    %dma_wait3A_161 = tpu.memref_slice %arg7[%dma_wait3A_159, %dma_wait3A_160] : memref<10x512xi32, #tpu.memory_space<vmem>> -> memref<1x512xi32, #tpu.memory_space<vmem>>
    %dma_wait3A_162 = tpu.memref_squeeze %dma_wait3A_161 : memref<1x512xi32, #tpu.memory_space<vmem>> -> memref<512xi32, #tpu.memory_space<vmem>>
    %dma_wait3A_163 = arith.constant 0 : i32
    %dma_wait3A_164 = arith.constant 0 : i32
    %dma_wait3A_165 = tpu.memref_slice %arg13[%dma_wait3A_163, %dma_wait3A_164] : memref<10240x16xf32, #tpu.memory_space<vmem_shared>> -> memref<10240x16xf32, #tpu.memory_space<vmem_shared>>
    tpu.wait_indirect_dma semaphore(%arg21 : memref<!tpu.dma_semaphore, #tpu.memory_space<semaphore_mem>>) src(%arg11 : memref<512x16xf32, #tpu.memory_space<vmem>>) dst(%dma_wait3A_165 : memref<10240x16xf32, #tpu.memory_space<vmem_shared>>)
    %dma_start3A_166 = arith.constant 7 : i32
    %dma_start3A_167 = arith.constant 0 : i32
    %dma_start3A_168 = tpu.memref_slice %arg6[%dma_start3A_166, %dma_start3A_167] : memref<10x512xi32, #tpu.memory_space<vmem>> -> memref<1x512xi32, #tpu.memory_space<vmem>>
    %dma_start3A_169 = tpu.memref_squeeze %dma_start3A_168 : memref<1x512xi32, #tpu.memory_space<vmem>> -> memref<512xi32, #tpu.memory_space<vmem>>
    %dma_start3A_170 = arith.constant 0 : i32
    %dma_start3A_171 = arith.constant 0 : i32
    %dma_start3A_172 = tpu.memref_slice %arg2[%dma_start3A_170, %dma_start3A_171] : memref<10000x16xf32, #tpu.memory_space<hbm>> -> memref<10000x16xf32, #tpu.memory_space<hbm>>
    tpu.enqueue_indirect_dma source(%dma_start3A_172 : memref<10000x16xf32, #tpu.memory_space<hbm>>) target(%arg11 : memref<512x16xf32, #tpu.memory_space<vmem>>) offsets(%dma_start3A_169 : memref<512xi32, #tpu.memory_space<vmem>>) semaphore(%arg17 : memref<!tpu.dma_semaphore, #tpu.memory_space<semaphore_mem>>)
    %dma_wait3A_173 = arith.constant 0 : i32
    %dma_wait3A_174 = arith.constant 0 : i32
    %dma_wait3A_175 = tpu.memref_slice %arg6[%dma_wait3A_173, %dma_wait3A_174] : memref<10x512xi32, #tpu.memory_space<vmem>> -> memref<1x512xi32, #tpu.memory_space<vmem>>
    %dma_wait3A_176 = tpu.memref_squeeze %dma_wait3A_175 : memref<1x512xi32, #tpu.memory_space<vmem>> -> memref<512xi32, #tpu.memory_space<vmem>>
    %dma_wait3A_177 = arith.constant 0 : i32
    %dma_wait3A_178 = arith.constant 0 : i32
    %dma_wait3A_179 = tpu.memref_slice %arg2[%dma_wait3A_177, %dma_wait3A_178] : memref<10000x16xf32, #tpu.memory_space<hbm>> -> memref<10000x16xf32, #tpu.memory_space<hbm>>
    tpu.wait_indirect_dma semaphore(%arg14 : memref<!tpu.dma_semaphore, #tpu.memory_space<semaphore_mem>>) src(%dma_wait3A_179 : memref<10000x16xf32, #tpu.memory_space<hbm>>) dst(%arg8 : memref<512x16xf32, #tpu.memory_space<vmem>>)
    %dma_start3A_180 = arith.constant 4 : i32
    %dma_start3A_181 = arith.constant 0 : i32
    %dma_start3A_182 = tpu.memref_slice %arg7[%dma_start3A_180, %dma_start3A_181] : memref<10x512xi32, #tpu.memory_space<vmem>> -> memref<1x512xi32, #tpu.memory_space<vmem>>
    %dma_start3A_183 = tpu.memref_squeeze %dma_start3A_182 : memref<1x512xi32, #tpu.memory_space<vmem>> -> memref<512xi32, #tpu.memory_space<vmem>>
    %dma_start3A_184 = arith.constant 0 : i32
    %dma_start3A_185 = arith.constant 0 : i32
    %dma_start3A_186 = tpu.memref_slice %arg13[%dma_start3A_184, %dma_start3A_185] : memref<10240x16xf32, #tpu.memory_space<vmem_shared>> -> memref<10240x16xf32, #tpu.memory_space<vmem_shared>>
    tpu.enqueue_indirect_dma source(%arg8 : memref<512x16xf32, #tpu.memory_space<vmem>>) target(%dma_start3A_186 : memref<10240x16xf32, #tpu.memory_space<vmem_shared>>) offsets(%dma_start3A_183 : memref<512xi32, #tpu.memory_space<vmem>>) semaphore(%arg18 : memref<!tpu.dma_semaphore, #tpu.memory_space<semaphore_mem>>) {add = true}
    %dma_wait3A_187 = arith.constant 0 : i32
    %dma_wait3A_188 = arith.constant 0 : i32
    %dma_wait3A_189 = tpu.memref_slice %arg7[%dma_wait3A_187, %dma_wait3A_188] : memref<10x512xi32, #tpu.memory_space<vmem>> -> memref<1x512xi32, #tpu.memory_space<vmem>>
    %dma_wait3A_190 = tpu.memref_squeeze %dma_wait3A_189 : memref<1x512xi32, #tpu.memory_space<vmem>> -> memref<512xi32, #tpu.memory_space<vmem>>
    %dma_wait3A_191 = arith.constant 0 : i32
    %dma_wait3A_192 = arith.constant 0 : i32
    %dma_wait3A_193 = tpu.memref_slice %arg13[%dma_wait3A_191, %dma_wait3A_192] : memref<10240x16xf32, #tpu.memory_space<vmem_shared>> -> memref<10240x16xf32, #tpu.memory_space<vmem_shared>>
    tpu.wait_indirect_dma semaphore(%arg18 : memref<!tpu.dma_semaphore, #tpu.memory_space<semaphore_mem>>) src(%arg8 : memref<512x16xf32, #tpu.memory_space<vmem>>) dst(%dma_wait3A_193 : memref<10240x16xf32, #tpu.memory_space<vmem_shared>>)
    %dma_start3A_194 = arith.constant 8 : i32
    %dma_start3A_195 = arith.constant 0 : i32
    %dma_start3A_196 = tpu.memref_slice %arg6[%dma_start3A_194, %dma_start3A_195] : memref<10x512xi32, #tpu.memory_space<vmem>> -> memref<1x512xi32, #tpu.memory_space<vmem>>
    %dma_start3A_197 = tpu.memref_squeeze %dma_start3A_196 : memref<1x512xi32, #tpu.memory_space<vmem>> -> memref<512xi32, #tpu.memory_space<vmem>>
    %dma_start3A_198 = arith.constant 0 : i32
    %dma_start3A_199 = arith.constant 0 : i32
    %dma_start3A_200 = tpu.memref_slice %arg2[%dma_start3A_198, %dma_start3A_199] : memref<10000x16xf32, #tpu.memory_space<hbm>> -> memref<10000x16xf32, #tpu.memory_space<hbm>>
    tpu.enqueue_indirect_dma source(%dma_start3A_200 : memref<10000x16xf32, #tpu.memory_space<hbm>>) target(%arg8 : memref<512x16xf32, #tpu.memory_space<vmem>>) offsets(%dma_start3A_197 : memref<512xi32, #tpu.memory_space<vmem>>) semaphore(%arg14 : memref<!tpu.dma_semaphore, #tpu.memory_space<semaphore_mem>>)
    %dma_wait3A_201 = arith.constant 0 : i32
    %dma_wait3A_202 = arith.constant 0 : i32
    %dma_wait3A_203 = tpu.memref_slice %arg6[%dma_wait3A_201, %dma_wait3A_202] : memref<10x512xi32, #tpu.memory_space<vmem>> -> memref<1x512xi32, #tpu.memory_space<vmem>>
    %dma_wait3A_204 = tpu.memref_squeeze %dma_wait3A_203 : memref<1x512xi32, #tpu.memory_space<vmem>> -> memref<512xi32, #tpu.memory_space<vmem>>
    %dma_wait3A_205 = arith.constant 0 : i32
    %dma_wait3A_206 = arith.constant 0 : i32
    %dma_wait3A_207 = tpu.memref_slice %arg2[%dma_wait3A_205, %dma_wait3A_206] : memref<10000x16xf32, #tpu.memory_space<hbm>> -> memref<10000x16xf32, #tpu.memory_space<hbm>>
    tpu.wait_indirect_dma semaphore(%arg15 : memref<!tpu.dma_semaphore, #tpu.memory_space<semaphore_mem>>) src(%dma_wait3A_207 : memref<10000x16xf32, #tpu.memory_space<hbm>>) dst(%arg9 : memref<512x16xf32, #tpu.memory_space<vmem>>)
    %dma_start3A_208 = arith.constant 5 : i32
    %dma_start3A_209 = arith.constant 0 : i32
    %dma_start3A_210 = tpu.memref_slice %arg7[%dma_start3A_208, %dma_start3A_209] : memref<10x512xi32, #tpu.memory_space<vmem>> -> memref<1x512xi32, #tpu.memory_space<vmem>>
    %dma_start3A_211 = tpu.memref_squeeze %dma_start3A_210 : memref<1x512xi32, #tpu.memory_space<vmem>> -> memref<512xi32, #tpu.memory_space<vmem>>
    %dma_start3A_212 = arith.constant 0 : i32
    %dma_start3A_213 = arith.constant 0 : i32
    %dma_start3A_214 = tpu.memref_slice %arg13[%dma_start3A_212, %dma_start3A_213] : memref<10240x16xf32, #tpu.memory_space<vmem_shared>> -> memref<10240x16xf32, #tpu.memory_space<vmem_shared>>
    tpu.enqueue_indirect_dma source(%arg9 : memref<512x16xf32, #tpu.memory_space<vmem>>) target(%dma_start3A_214 : memref<10240x16xf32, #tpu.memory_space<vmem_shared>>) offsets(%dma_start3A_211 : memref<512xi32, #tpu.memory_space<vmem>>) semaphore(%arg19 : memref<!tpu.dma_semaphore, #tpu.memory_space<semaphore_mem>>) {add = true}
    %dma_wait3A_215 = arith.constant 0 : i32
    %dma_wait3A_216 = arith.constant 0 : i32
    %dma_wait3A_217 = tpu.memref_slice %arg7[%dma_wait3A_215, %dma_wait3A_216] : memref<10x512xi32, #tpu.memory_space<vmem>> -> memref<1x512xi32, #tpu.memory_space<vmem>>
    %dma_wait3A_218 = tpu.memref_squeeze %dma_wait3A_217 : memref<1x512xi32, #tpu.memory_space<vmem>> -> memref<512xi32, #tpu.memory_space<vmem>>
    %dma_wait3A_219 = arith.constant 0 : i32
    %dma_wait3A_220 = arith.constant 0 : i32
    %dma_wait3A_221 = tpu.memref_slice %arg13[%dma_wait3A_219, %dma_wait3A_220] : memref<10240x16xf32, #tpu.memory_space<vmem_shared>> -> memref<10240x16xf32, #tpu.memory_space<vmem_shared>>
    tpu.wait_indirect_dma semaphore(%arg19 : memref<!tpu.dma_semaphore, #tpu.memory_space<semaphore_mem>>) src(%arg9 : memref<512x16xf32, #tpu.memory_space<vmem>>) dst(%dma_wait3A_221 : memref<10240x16xf32, #tpu.memory_space<vmem_shared>>)
    %dma_start3A_222 = arith.constant 9 : i32
    %dma_start3A_223 = arith.constant 0 : i32
    %dma_start3A_224 = tpu.memref_slice %arg6[%dma_start3A_222, %dma_start3A_223] : memref<10x512xi32, #tpu.memory_space<vmem>> -> memref<1x512xi32, #tpu.memory_space<vmem>>
    %dma_start3A_225 = tpu.memref_squeeze %dma_start3A_224 : memref<1x512xi32, #tpu.memory_space<vmem>> -> memref<512xi32, #tpu.memory_space<vmem>>
    %dma_start3A_226 = arith.constant 0 : i32
    %dma_start3A_227 = arith.constant 0 : i32
    %dma_start3A_228 = tpu.memref_slice %arg2[%dma_start3A_226, %dma_start3A_227] : memref<10000x16xf32, #tpu.memory_space<hbm>> -> memref<10000x16xf32, #tpu.memory_space<hbm>>
    tpu.enqueue_indirect_dma source(%dma_start3A_228 : memref<10000x16xf32, #tpu.memory_space<hbm>>) target(%arg9 : memref<512x16xf32, #tpu.memory_space<vmem>>) offsets(%dma_start3A_225 : memref<512xi32, #tpu.memory_space<vmem>>) semaphore(%arg15 : memref<!tpu.dma_semaphore, #tpu.memory_space<semaphore_mem>>)
    %dma_wait3A_229 = arith.constant 0 : i32
    %dma_wait3A_230 = arith.constant 0 : i32
    %dma_wait3A_231 = tpu.memref_slice %arg6[%dma_wait3A_229, %dma_wait3A_230] : memref<10x512xi32, #tpu.memory_space<vmem>> -> memref<1x512xi32, #tpu.memory_space<vmem>>
    %dma_wait3A_232 = tpu.memref_squeeze %dma_wait3A_231 : memref<1x512xi32, #tpu.memory_space<vmem>> -> memref<512xi32, #tpu.memory_space<vmem>>
    %dma_wait3A_233 = arith.constant 0 : i32
    %dma_wait3A_234 = arith.constant 0 : i32
    %dma_wait3A_235 = tpu.memref_slice %arg2[%dma_wait3A_233, %dma_wait3A_234] : memref<10000x16xf32, #tpu.memory_space<hbm>> -> memref<10000x16xf32, #tpu.memory_space<hbm>>
    tpu.wait_indirect_dma semaphore(%arg16 : memref<!tpu.dma_semaphore, #tpu.memory_space<semaphore_mem>>) src(%dma_wait3A_235 : memref<10000x16xf32, #tpu.memory_space<hbm>>) dst(%arg10 : memref<512x16xf32, #tpu.memory_space<vmem>>)
    %dma_start3A_236 = arith.constant 6 : i32
    %dma_start3A_237 = arith.constant 0 : i32
    %dma_start3A_238 = tpu.memref_slice %arg7[%dma_start3A_236, %dma_start3A_237] : memref<10x512xi32, #tpu.memory_space<vmem>> -> memref<1x512xi32, #tpu.memory_space<vmem>>
    %dma_start3A_239 = tpu.memref_squeeze %dma_start3A_238 : memref<1x512xi32, #tpu.memory_space<vmem>> -> memref<512xi32, #tpu.memory_space<vmem>>
    %dma_start3A_240 = arith.constant 0 : i32
    %dma_start3A_241 = arith.constant 0 : i32
    %dma_start3A_242 = tpu.memref_slice %arg13[%dma_start3A_240, %dma_start3A_241] : memref<10240x16xf32, #tpu.memory_space<vmem_shared>> -> memref<10240x16xf32, #tpu.memory_space<vmem_shared>>
    tpu.enqueue_indirect_dma source(%arg10 : memref<512x16xf32, #tpu.memory_space<vmem>>) target(%dma_start3A_242 : memref<10240x16xf32, #tpu.memory_space<vmem_shared>>) offsets(%dma_start3A_239 : memref<512xi32, #tpu.memory_space<vmem>>) semaphore(%arg20 : memref<!tpu.dma_semaphore, #tpu.memory_space<semaphore_mem>>) {add = true}
    %dma_wait3A_243 = arith.constant 0 : i32
    %dma_wait3A_244 = arith.constant 0 : i32
    %dma_wait3A_245 = tpu.memref_slice %arg6[%dma_wait3A_243, %dma_wait3A_244] : memref<10x512xi32, #tpu.memory_space<vmem>> -> memref<1x512xi32, #tpu.memory_space<vmem>>
    %dma_wait3A_246 = tpu.memref_squeeze %dma_wait3A_245 : memref<1x512xi32, #tpu.memory_space<vmem>> -> memref<512xi32, #tpu.memory_space<vmem>>
    %dma_wait3A_247 = arith.constant 0 : i32
    %dma_wait3A_248 = arith.constant 0 : i32
    %dma_wait3A_249 = tpu.memref_slice %arg2[%dma_wait3A_247, %dma_wait3A_248] : memref<10000x16xf32, #tpu.memory_space<hbm>> -> memref<10000x16xf32, #tpu.memory_space<hbm>>
    tpu.wait_indirect_dma semaphore(%arg17 : memref<!tpu.dma_semaphore, #tpu.memory_space<semaphore_mem>>) src(%dma_wait3A_249 : memref<10000x16xf32, #tpu.memory_space<hbm>>) dst(%arg11 : memref<512x16xf32, #tpu.memory_space<vmem>>)
    %dma_start3A_250 = arith.constant 7 : i32
    %dma_start3A_251 = arith.constant 0 : i32
    %dma_start3A_252 = tpu.memref_slice %arg7[%dma_start3A_250, %dma_start3A_251] : memref<10x512xi32, #tpu.memory_space<vmem>> -> memref<1x512xi32, #tpu.memory_space<vmem>>
    %dma_start3A_253 = tpu.memref_squeeze %dma_start3A_252 : memref<1x512xi32, #tpu.memory_space<vmem>> -> memref<512xi32, #tpu.memory_space<vmem>>
    %dma_start3A_254 = arith.constant 0 : i32
    %dma_start3A_255 = arith.constant 0 : i32
    %dma_start3A_256 = tpu.memref_slice %arg13[%dma_start3A_254, %dma_start3A_255] : memref<10240x16xf32, #tpu.memory_space<vmem_shared>> -> memref<10240x16xf32, #tpu.memory_space<vmem_shared>>
    tpu.enqueue_indirect_dma source(%arg11 : memref<512x16xf32, #tpu.memory_space<vmem>>) target(%dma_start3A_256 : memref<10240x16xf32, #tpu.memory_space<vmem_shared>>) offsets(%dma_start3A_253 : memref<512xi32, #tpu.memory_space<vmem>>) semaphore(%arg21 : memref<!tpu.dma_semaphore, #tpu.memory_space<semaphore_mem>>) {add = true}
    %dma_wait3A_257 = arith.constant 0 : i32
    %dma_wait3A_258 = arith.constant 0 : i32
    %dma_wait3A_259 = tpu.memref_slice %arg6[%dma_wait3A_257, %dma_wait3A_258] : memref<10x512xi32, #tpu.memory_space<vmem>> -> memref<1x512xi32, #tpu.memory_space<vmem>>
    %dma_wait3A_260 = tpu.memref_squeeze %dma_wait3A_259 : memref<1x512xi32, #tpu.memory_space<vmem>> -> memref<512xi32, #tpu.memory_space<vmem>>
    %dma_wait3A_261 = arith.constant 0 : i32
    %dma_wait3A_262 = arith.constant 0 : i32
    %dma_wait3A_263 = tpu.memref_slice %arg2[%dma_wait3A_261, %dma_wait3A_262] : memref<10000x16xf32, #tpu.memory_space<hbm>> -> memref<10000x16xf32, #tpu.memory_space<hbm>>
    tpu.wait_indirect_dma semaphore(%arg14 : memref<!tpu.dma_semaphore, #tpu.memory_space<semaphore_mem>>) src(%dma_wait3A_263 : memref<10000x16xf32, #tpu.memory_space<hbm>>) dst(%arg8 : memref<512x16xf32, #tpu.memory_space<vmem>>)
    %dma_start3A_264 = arith.constant 8 : i32
    %dma_start3A_265 = arith.constant 0 : i32
    %dma_start3A_266 = tpu.memref_slice %arg7[%dma_start3A_264, %dma_start3A_265] : memref<10x512xi32, #tpu.memory_space<vmem>> -> memref<1x512xi32, #tpu.memory_space<vmem>>
    %dma_start3A_267 = tpu.memref_squeeze %dma_start3A_266 : memref<1x512xi32, #tpu.memory_space<vmem>> -> memref<512xi32, #tpu.memory_space<vmem>>
    %dma_start3A_268 = arith.constant 0 : i32
    %dma_start3A_269 = arith.constant 0 : i32
    %dma_start3A_270 = tpu.memref_slice %arg13[%dma_start3A_268, %dma_start3A_269] : memref<10240x16xf32, #tpu.memory_space<vmem_shared>> -> memref<10240x16xf32, #tpu.memory_space<vmem_shared>>
    tpu.enqueue_indirect_dma source(%arg8 : memref<512x16xf32, #tpu.memory_space<vmem>>) target(%dma_start3A_270 : memref<10240x16xf32, #tpu.memory_space<vmem_shared>>) offsets(%dma_start3A_267 : memref<512xi32, #tpu.memory_space<vmem>>) semaphore(%arg18 : memref<!tpu.dma_semaphore, #tpu.memory_space<semaphore_mem>>) {add = true}
    %dma_wait3A_271 = arith.constant 0 : i32
    %dma_wait3A_272 = arith.constant 0 : i32
    %dma_wait3A_273 = tpu.memref_slice %arg6[%dma_wait3A_271, %dma_wait3A_272] : memref<10x512xi32, #tpu.memory_space<vmem>> -> memref<1x512xi32, #tpu.memory_space<vmem>>
    %dma_wait3A_274 = tpu.memref_squeeze %dma_wait3A_273 : memref<1x512xi32, #tpu.memory_space<vmem>> -> memref<512xi32, #tpu.memory_space<vmem>>
    %dma_wait3A_275 = arith.constant 0 : i32
    %dma_wait3A_276 = arith.constant 0 : i32
    %dma_wait3A_277 = tpu.memref_slice %arg2[%dma_wait3A_275, %dma_wait3A_276] : memref<10000x16xf32, #tpu.memory_space<hbm>> -> memref<10000x16xf32, #tpu.memory_space<hbm>>
    tpu.wait_indirect_dma semaphore(%arg15 : memref<!tpu.dma_semaphore, #tpu.memory_space<semaphore_mem>>) src(%dma_wait3A_277 : memref<10000x16xf32, #tpu.memory_space<hbm>>) dst(%arg9 : memref<512x16xf32, #tpu.memory_space<vmem>>)
    %dma_start3A_278 = arith.constant 9 : i32
    %dma_start3A_279 = arith.constant 0 : i32
    %dma_start3A_280 = tpu.memref_slice %arg7[%dma_start3A_278, %dma_start3A_279] : memref<10x512xi32, #tpu.memory_space<vmem>> -> memref<1x512xi32, #tpu.memory_space<vmem>>
    %dma_start3A_281 = tpu.memref_squeeze %dma_start3A_280 : memref<1x512xi32, #tpu.memory_space<vmem>> -> memref<512xi32, #tpu.memory_space<vmem>>
    %dma_start3A_282 = arith.constant 0 : i32
    %dma_start3A_283 = arith.constant 0 : i32
    %dma_start3A_284 = tpu.memref_slice %arg13[%dma_start3A_282, %dma_start3A_283] : memref<10240x16xf32, #tpu.memory_space<vmem_shared>> -> memref<10240x16xf32, #tpu.memory_space<vmem_shared>>
    tpu.enqueue_indirect_dma source(%arg9 : memref<512x16xf32, #tpu.memory_space<vmem>>) target(%dma_start3A_284 : memref<10240x16xf32, #tpu.memory_space<vmem_shared>>) offsets(%dma_start3A_281 : memref<512xi32, #tpu.memory_space<vmem>>) semaphore(%arg19 : memref<!tpu.dma_semaphore, #tpu.memory_space<semaphore_mem>>) {add = true}
    %dma_wait3A_285 = arith.constant 0 : i32
    %dma_wait3A_286 = arith.constant 0 : i32
    %dma_wait3A_287 = tpu.memref_slice %arg7[%dma_wait3A_285, %dma_wait3A_286] : memref<10x512xi32, #tpu.memory_space<vmem>> -> memref<1x512xi32, #tpu.memory_space<vmem>>
    %dma_wait3A_288 = tpu.memref_squeeze %dma_wait3A_287 : memref<1x512xi32, #tpu.memory_space<vmem>> -> memref<512xi32, #tpu.memory_space<vmem>>
    %dma_wait3A_289 = arith.constant 0 : i32
    %dma_wait3A_290 = arith.constant 0 : i32
    %dma_wait3A_291 = tpu.memref_slice %arg13[%dma_wait3A_289, %dma_wait3A_290] : memref<10240x16xf32, #tpu.memory_space<vmem_shared>> -> memref<10240x16xf32, #tpu.memory_space<vmem_shared>>
    tpu.wait_indirect_dma semaphore(%arg20 : memref<!tpu.dma_semaphore, #tpu.memory_space<semaphore_mem>>) src(%arg10 : memref<512x16xf32, #tpu.memory_space<vmem>>) dst(%dma_wait3A_291 : memref<10240x16xf32, #tpu.memory_space<vmem_shared>>)
    %dma_wait3A_292 = arith.constant 0 : i32
    %dma_wait3A_293 = arith.constant 0 : i32
    %dma_wait3A_294 = tpu.memref_slice %arg7[%dma_wait3A_292, %dma_wait3A_293] : memref<10x512xi32, #tpu.memory_space<vmem>> -> memref<1x512xi32, #tpu.memory_space<vmem>>
    %dma_wait3A_295 = tpu.memref_squeeze %dma_wait3A_294 : memref<1x512xi32, #tpu.memory_space<vmem>> -> memref<512xi32, #tpu.memory_space<vmem>>
    %dma_wait3A_296 = arith.constant 0 : i32
    %dma_wait3A_297 = arith.constant 0 : i32
    %dma_wait3A_298 = tpu.memref_slice %arg13[%dma_wait3A_296, %dma_wait3A_297] : memref<10240x16xf32, #tpu.memory_space<vmem_shared>> -> memref<10240x16xf32, #tpu.memory_space<vmem_shared>>
    tpu.wait_indirect_dma semaphore(%arg21 : memref<!tpu.dma_semaphore, #tpu.memory_space<semaphore_mem>>) src(%arg11 : memref<512x16xf32, #tpu.memory_space<vmem>>) dst(%dma_wait3A_298 : memref<10240x16xf32, #tpu.memory_space<vmem_shared>>)
    %dma_wait3A_299 = arith.constant 0 : i32
    %dma_wait3A_300 = arith.constant 0 : i32
    %dma_wait3A_301 = tpu.memref_slice %arg7[%dma_wait3A_299, %dma_wait3A_300] : memref<10x512xi32, #tpu.memory_space<vmem>> -> memref<1x512xi32, #tpu.memory_space<vmem>>
    %dma_wait3A_302 = tpu.memref_squeeze %dma_wait3A_301 : memref<1x512xi32, #tpu.memory_space<vmem>> -> memref<512xi32, #tpu.memory_space<vmem>>
    %dma_wait3A_303 = arith.constant 0 : i32
    %dma_wait3A_304 = arith.constant 0 : i32
    %dma_wait3A_305 = tpu.memref_slice %arg13[%dma_wait3A_303, %dma_wait3A_304] : memref<10240x16xf32, #tpu.memory_space<vmem_shared>> -> memref<10240x16xf32, #tpu.memory_space<vmem_shared>>
    tpu.wait_indirect_dma semaphore(%arg18 : memref<!tpu.dma_semaphore, #tpu.memory_space<semaphore_mem>>) src(%arg8 : memref<512x16xf32, #tpu.memory_space<vmem>>) dst(%dma_wait3A_305 : memref<10240x16xf32, #tpu.memory_space<vmem_shared>>)
    %dma_wait3A_306 = arith.constant 0 : i32
    %dma_wait3A_307 = arith.constant 0 : i32
    %dma_wait3A_308 = tpu.memref_slice %arg7[%dma_wait3A_306, %dma_wait3A_307] : memref<10x512xi32, #tpu.memory_space<vmem>> -> memref<1x512xi32, #tpu.memory_space<vmem>>
    %dma_wait3A_309 = tpu.memref_squeeze %dma_wait3A_308 : memref<1x512xi32, #tpu.memory_space<vmem>> -> memref<512xi32, #tpu.memory_space<vmem>>
    %dma_wait3A_310 = arith.constant 0 : i32
    %dma_wait3A_311 = arith.constant 0 : i32
    %dma_wait3A_312 = tpu.memref_slice %arg13[%dma_wait3A_310, %dma_wait3A_311] : memref<10240x16xf32, #tpu.memory_space<vmem_shared>> -> memref<10240x16xf32, #tpu.memory_space<vmem_shared>>
    tpu.wait_indirect_dma semaphore(%arg19 : memref<!tpu.dma_semaphore, #tpu.memory_space<semaphore_mem>>) src(%arg9 : memref<512x16xf32, #tpu.memory_space<vmem>>) dst(%dma_wait3A_312 : memref<10240x16xf32, #tpu.memory_space<vmem_shared>>)
    %barrier3A_313 = arith.constant 0 : index
    tpu.barrier barrier_id(%barrier3A_313)
    %mul3A_314 = arith.constant 640 : i32
    %mul3A_315 = arith.muli %arg1, %mul3A_314 : i32
    "tpu.region"() ({
      %run_scoped3A = tpu.sem_alloc : memref<!tpu.dma_semaphore, #tpu.memory_space<semaphore_mem>>
      %dma_start3A_320 = arith.constant 0 : i32
      %dma_start3A_321 = tpu.memref_slice %arg13[%mul3A_315, %dma_start3A_320] : memref<10240x16xf32, #tpu.memory_space<vmem_shared>> -> memref<640x16xf32, #tpu.memory_space<vmem_shared>>
      %dma_start3A_322 = arith.constant 0 : i32
      %dma_start3A_323 = tpu.memref_slice %arg13[%mul3A_315, %dma_start3A_322] : memref<10240x16xf32, #tpu.memory_space<vmem_shared>> -> memref<640x16xf32, #tpu.memory_space<vmem_shared>>
      tpu.enqueue_dma source(%dma_start3A_323 : memref<640x16xf32, #tpu.memory_space<vmem_shared>>) target(%arg12 : memref<640x16xf32, #tpu.memory_space<vmem>>) target_semaphore(%run_scoped3A : memref<!tpu.dma_semaphore, #tpu.memory_space<semaphore_mem>>)
      %dma_wait3A_324 = arith.constant 0 : i32
      %dma_wait3A_325 = tpu.memref_slice %arg13[%mul3A_315, %dma_wait3A_324] : memref<10240x16xf32, #tpu.memory_space<vmem_shared>> -> memref<640x16xf32, #tpu.memory_space<vmem_shared>>
      %dma_wait3A_326 = arith.constant 0 : i32
      %dma_wait3A_327 = tpu.memref_slice %arg13[%mul3A_315, %dma_wait3A_326] : memref<10240x16xf32, #tpu.memory_space<vmem_shared>> -> memref<640x16xf32, #tpu.memory_space<vmem_shared>>
      tpu.wait_dma2 semaphore(%run_scoped3A : memref<!tpu.dma_semaphore, #tpu.memory_space<semaphore_mem>>) src(%dma_wait3A_327 : memref<640x16xf32, #tpu.memory_space<vmem_shared>>) dst(%arg12 : memref<640x16xf32, #tpu.memory_space<vmem>>)
      tpu.yield
    }) : () -> ()
    %mul3A_316 = arith.constant 640 : i32
    %mul3A_317 = arith.muli %arg1, %mul3A_316 : i32
    %mul3A_318 = arith.constant 16 : i32
    %mul3A_319 = arith.muli %arg0, %mul3A_318 : i32
    "tpu.region"() ({
      %run_scoped3A = tpu.sem_alloc : memref<!tpu.dma_semaphore, #tpu.memory_space<semaphore_mem>>
      %dma_start3A_320 = tpu.memref_slice %arg5[%mul3A_317, %mul3A_319] : memref<10240x128xf32, #tpu.memory_space<hbm>> -> memref<640x16xf32, #tpu.memory_space<hbm>>
      %dma_start3A_321 = tpu.memref_slice %arg5[%mul3A_317, %mul3A_319] : memref<10240x128xf32, #tpu.memory_space<hbm>> -> memref<640x16xf32, #tpu.memory_space<hbm>>
      tpu.enqueue_dma source(%arg12 : memref<640x16xf32, #tpu.memory_space<vmem>>) target(%dma_start3A_321 : memref<640x16xf32, #tpu.memory_space<hbm>>) target_semaphore(%run_scoped3A : memref<!tpu.dma_semaphore, #tpu.memory_space<semaphore_mem>>)
      %dma_wait3A_322 = tpu.memref_slice %arg5[%mul3A_317, %mul3A_319] : memref<10240x128xf32, #tpu.memory_space<hbm>> -> memref<640x16xf32, #tpu.memory_space<hbm>>
      %dma_wait3A_323 = tpu.memref_slice %arg5[%mul3A_317, %mul3A_319] : memref<10240x128xf32, #tpu.memory_space<hbm>> -> memref<640x16xf32, #tpu.memory_space<hbm>>
      tpu.wait_dma2 semaphore(%run_scoped3A : memref<!tpu.dma_semaphore, #tpu.memory_space<semaphore_mem>>) src(%arg12 : memref<640x16xf32, #tpu.memory_space<vmem>>) dst(%dma_wait3A_323 : memref<640x16xf32, #tpu.memory_space<hbm>>)
      tpu.yield
    }) : () -> ()
    return
  }
}

#map = affine_map<(d0, d1) -> (0)>
#map1 = affine_map<(d0, d1) -> (0, 0)>
module attributes {stable_mosaic.version = 14 : i64} {
  func.func @body(%arg0: i32, %arg1: i32, %arg2: memref<320000xi32, #tpu.memory_space<hbm>>, %arg3: memref<163840xi32, #tpu.memory_space<hbm>>, %arg4: memref<163840xi32, #tpu.memory_space<hbm>>, %arg5: memref<32x10240xf32, #tpu.memory_space<hbm>>, %arg6: memref<5120xi32, #tpu.memory_space<vmem>>, %arg7: memref<5120xi32, #tpu.memory_space<vmem>>, %arg8: memref<10240xf32, #tpu.memory_space<vmem>>) attributes {dimension_semantics = [#tpu.dimension_semantics<core_parallel>, #tpu.dimension_semantics<subcore_parallel>], iteration_bounds = array<i64: 2, 16>, scalar_prefetch = 0 : i64, scratch_operands = 3 : i64, tpu.core_type = #tpu.core_type<sc_vector_subcore>, window_params = [{transform_indices = #map}, {transform_indices = #map}, {transform_indices = #map}, {transform_indices = #map1}]} {
    %mul3A = arith.constant 16 : i32
    %mul3A_0 = arith.muli %arg0, %mul3A : i32
    %add3A = arith.addi %mul3A_0, %arg1 : i32
    %mul3A_1 = arith.constant 5000 : i32
    %mul3A_2 = arith.muli %add3A, %mul3A_1 : i32
    %iota3A = tpu.iota {dimensions = array<i32: 0>} : vector<16xi32>
    %mul3A_3 = arith.constant 0 : i32
    %mul3A_4 = vector.broadcast %mul3A_3 : i32 to vector<16xi32>
    %mul3A_5 = arith.muli %iota3A, %mul3A_4 : vector<16xi32>
    %convert_element_type3A = arith.sitofp %mul3A_5 : vector<16xi32> to vector<16xf32>
    %add3A_6 = arith.constant 1.000000e+00 : f32
    %add3A_7 = vector.broadcast %add3A_6 : f32 to vector<16xf32>
    %add3A_8 = arith.addf %convert_element_type3A, %add3A_7 : vector<16xf32>
    %scan3A = arith.constant 0 : i32
    %scan3A_9 = arith.constant 0 : i32
    %scan3A_10 = arith.constant 640 : i32
    %scan3A_11 = arith.addi %scan3A_9, %scan3A_10 : i32
    %scan3A_12 = arith.constant 1 : i32
    scf.for %scan3A_57 = %scan3A_9 to %scan3A_11 step %scan3A_12  : i32 {
      %mul3A_58 = arith.constant 16 : i32
      %mul3A_59 = arith.muli %scan3A_57, %mul3A_58 : i32
      %swap3A_60 = arith.index_cast %mul3A_59 : i32 to index
      %swap3A_61 = tpu.vector_load %arg8[%swap3A_60] {strides = array<i32>} : memref<10240xf32, #tpu.memory_space<vmem>>, vector<16xf32>,
      tpu.vector_store %arg8[%swap3A_60], %convert_element_type3A {strides = array<i32>} : memref<10240xf32, #tpu.memory_space<vmem>>, vector<16xf32>,
    }
    %scan3A_13 = arith.constant 640 : i32
    "tpu.region"() ({
      %run_scoped3A = tpu.sem_alloc : memref<!tpu.dma_semaphore, #tpu.memory_space<semaphore_mem>>
      %dma_start3A = arith.constant 0 : i32
      %dma_start3A_57 = tpu.memref_slice %arg6[%dma_start3A] : memref<5120xi32, #tpu.memory_space<vmem>> -> memref<5000xi32, #tpu.memory_space<vmem>>
      %dma_start3A_58 = tpu.memref_slice %arg2[%mul3A_2] : memref<320000xi32, #tpu.memory_space<hbm>> -> memref<5000xi32, #tpu.memory_space<hbm>>
      %dma_start3A_59 = arith.constant 0 : i32
      %dma_start3A_60 = tpu.memref_slice %arg6[%dma_start3A_59] : memref<5120xi32, #tpu.memory_space<vmem>> -> memref<5000xi32, #tpu.memory_space<vmem>>
      %dma_start3A_61 = tpu.memref_slice %arg2[%mul3A_2] : memref<320000xi32, #tpu.memory_space<hbm>> -> memref<5000xi32, #tpu.memory_space<hbm>>
      tpu.enqueue_dma source(%dma_start3A_61 : memref<5000xi32, #tpu.memory_space<hbm>>) target(%dma_start3A_60 : memref<5000xi32, #tpu.memory_space<vmem>>) target_semaphore(%run_scoped3A : memref<!tpu.dma_semaphore, #tpu.memory_space<semaphore_mem>>)
      %dma_wait3A = arith.constant 0 : i32
      %dma_wait3A_62 = tpu.memref_slice %arg6[%dma_wait3A] : memref<5120xi32, #tpu.memory_space<vmem>> -> memref<5000xi32, #tpu.memory_space<vmem>>
      %dma_wait3A_63 = tpu.memref_slice %arg2[%mul3A_2] : memref<320000xi32, #tpu.memory_space<hbm>> -> memref<5000xi32, #tpu.memory_space<hbm>>
      %dma_wait3A_64 = arith.constant 0 : i32
      %dma_wait3A_65 = tpu.memref_slice %arg6[%dma_wait3A_64] : memref<5120xi32, #tpu.memory_space<vmem>> -> memref<5000xi32, #tpu.memory_space<vmem>>
      %dma_wait3A_66 = tpu.memref_slice %arg2[%mul3A_2] : memref<320000xi32, #tpu.memory_space<hbm>> -> memref<5000xi32, #tpu.memory_space<hbm>>
      tpu.wait_dma2 semaphore(%run_scoped3A : memref<!tpu.dma_semaphore, #tpu.memory_space<semaphore_mem>>) src(%dma_wait3A_66 : memref<5000xi32, #tpu.memory_space<hbm>>) dst(%dma_wait3A_65 : memref<5000xi32, #tpu.memory_space<vmem>>)
      tpu.yield
    }) : () -> ()
    %add3A_14 = arith.constant 160000 : i32
    %add3A_15 = arith.addi %add3A_14, %mul3A_2 : i32
    "tpu.region"() ({
      %run_scoped3A = tpu.sem_alloc : memref<!tpu.dma_semaphore, #tpu.memory_space<semaphore_mem>>
      %dma_start3A = arith.constant 0 : i32
      %dma_start3A_57 = tpu.memref_slice %arg7[%dma_start3A] : memref<5120xi32, #tpu.memory_space<vmem>> -> memref<5000xi32, #tpu.memory_space<vmem>>
      %dma_start3A_58 = tpu.memref_slice %arg2[%add3A_15] : memref<320000xi32, #tpu.memory_space<hbm>> -> memref<5000xi32, #tpu.memory_space<hbm>>
      %dma_start3A_59 = arith.constant 0 : i32
      %dma_start3A_60 = tpu.memref_slice %arg7[%dma_start3A_59] : memref<5120xi32, #tpu.memory_space<vmem>> -> memref<5000xi32, #tpu.memory_space<vmem>>
      %dma_start3A_61 = tpu.memref_slice %arg2[%add3A_15] : memref<320000xi32, #tpu.memory_space<hbm>> -> memref<5000xi32, #tpu.memory_space<hbm>>
      tpu.enqueue_dma source(%dma_start3A_61 : memref<5000xi32, #tpu.memory_space<hbm>>) target(%dma_start3A_60 : memref<5000xi32, #tpu.memory_space<vmem>>) target_semaphore(%run_scoped3A : memref<!tpu.dma_semaphore, #tpu.memory_space<semaphore_mem>>)
      %dma_wait3A = arith.constant 0 : i32
      %dma_wait3A_62 = tpu.memref_slice %arg7[%dma_wait3A] : memref<5120xi32, #tpu.memory_space<vmem>> -> memref<5000xi32, #tpu.memory_space<vmem>>
      %dma_wait3A_63 = tpu.memref_slice %arg2[%add3A_15] : memref<320000xi32, #tpu.memory_space<hbm>> -> memref<5000xi32, #tpu.memory_space<hbm>>
      %dma_wait3A_64 = arith.constant 0 : i32
      %dma_wait3A_65 = tpu.memref_slice %arg7[%dma_wait3A_64] : memref<5120xi32, #tpu.memory_space<vmem>> -> memref<5000xi32, #tpu.memory_space<vmem>>
      %dma_wait3A_66 = tpu.memref_slice %arg2[%add3A_15] : memref<320000xi32, #tpu.memory_space<hbm>> -> memref<5000xi32, #tpu.memory_space<hbm>>
      tpu.wait_dma2 semaphore(%run_scoped3A : memref<!tpu.dma_semaphore, #tpu.memory_space<semaphore_mem>>) src(%dma_wait3A_66 : memref<5000xi32, #tpu.memory_space<hbm>>) dst(%dma_wait3A_65 : memref<5000xi32, #tpu.memory_space<vmem>>)
      tpu.yield
    }) : () -> ()
    %swap3A = arith.constant 5000 : index
    %swap3A_16 = tpu.vector_load %arg6[%swap3A] {strides = array<i32>} : memref<5120xi32, #tpu.memory_space<vmem>>, vector<16xi32>,
    tpu.vector_store %arg6[%swap3A], %mul3A_5 {strides = array<i32>} : memref<5120xi32, #tpu.memory_space<vmem>>, vector<16xi32>,
    %swap3A_17 = arith.constant 5000 : index
    %swap3A_18 = tpu.vector_load %arg7[%swap3A_17] {strides = array<i32>} : memref<5120xi32, #tpu.memory_space<vmem>>, vector<16xi32>,
    tpu.vector_store %arg7[%swap3A_17], %mul3A_5 {strides = array<i32>} : memref<5120xi32, #tpu.memory_space<vmem>>, vector<16xi32>,
    %swap3A_19 = arith.constant 5016 : index
    %swap3A_20 = tpu.vector_load %arg6[%swap3A_19] {strides = array<i32>} : memref<5120xi32, #tpu.memory_space<vmem>>, vector<16xi32>,
    tpu.vector_store %arg6[%swap3A_19], %mul3A_5 {strides = array<i32>} : memref<5120xi32, #tpu.memory_space<vmem>>, vector<16xi32>,
    %swap3A_21 = arith.constant 5016 : index
    %swap3A_22 = tpu.vector_load %arg7[%swap3A_21] {strides = array<i32>} : memref<5120xi32, #tpu.memory_space<vmem>>, vector<16xi32>,
    tpu.vector_store %arg7[%swap3A_21], %mul3A_5 {strides = array<i32>} : memref<5120xi32, #tpu.memory_space<vmem>>, vector<16xi32>,
    %swap3A_23 = arith.constant 5032 : index
    %swap3A_24 = tpu.vector_load %arg6[%swap3A_23] {strides = array<i32>} : memref<5120xi32, #tpu.memory_space<vmem>>, vector<16xi32>,
    tpu.vector_store %arg6[%swap3A_23], %mul3A_5 {strides = array<i32>} : memref<5120xi32, #tpu.memory_space<vmem>>, vector<16xi32>,
    %swap3A_25 = arith.constant 5032 : index
    %swap3A_26 = tpu.vector_load %arg7[%swap3A_25] {strides = array<i32>} : memref<5120xi32, #tpu.memory_space<vmem>>, vector<16xi32>,
    tpu.vector_store %arg7[%swap3A_25], %mul3A_5 {strides = array<i32>} : memref<5120xi32, #tpu.memory_space<vmem>>, vector<16xi32>,
    %swap3A_27 = arith.constant 5048 : index
    %swap3A_28 = tpu.vector_load %arg6[%swap3A_27] {strides = array<i32>} : memref<5120xi32, #tpu.memory_space<vmem>>, vector<16xi32>,
    tpu.vector_store %arg6[%swap3A_27], %mul3A_5 {strides = array<i32>} : memref<5120xi32, #tpu.memory_space<vmem>>, vector<16xi32>,
    %swap3A_29 = arith.constant 5048 : index
    %swap3A_30 = tpu.vector_load %arg7[%swap3A_29] {strides = array<i32>} : memref<5120xi32, #tpu.memory_space<vmem>>, vector<16xi32>,
    tpu.vector_store %arg7[%swap3A_29], %mul3A_5 {strides = array<i32>} : memref<5120xi32, #tpu.memory_space<vmem>>, vector<16xi32>,
    %swap3A_31 = arith.constant 5064 : index
    %swap3A_32 = tpu.vector_load %arg6[%swap3A_31] {strides = array<i32>} : memref<5120xi32, #tpu.memory_space<vmem>>, vector<16xi32>,
    tpu.vector_store %arg6[%swap3A_31], %mul3A_5 {strides = array<i32>} : memref<5120xi32, #tpu.memory_space<vmem>>, vector<16xi32>,
    %swap3A_33 = arith.constant 5064 : index
    %swap3A_34 = tpu.vector_load %arg7[%swap3A_33] {strides = array<i32>} : memref<5120xi32, #tpu.memory_space<vmem>>, vector<16xi32>,
    tpu.vector_store %arg7[%swap3A_33], %mul3A_5 {strides = array<i32>} : memref<5120xi32, #tpu.memory_space<vmem>>, vector<16xi32>,
    %swap3A_35 = arith.constant 5080 : index
    %swap3A_36 = tpu.vector_load %arg6[%swap3A_35] {strides = array<i32>} : memref<5120xi32, #tpu.memory_space<vmem>>, vector<16xi32>,
    tpu.vector_store %arg6[%swap3A_35], %mul3A_5 {strides = array<i32>} : memref<5120xi32, #tpu.memory_space<vmem>>, vector<16xi32>,
    %swap3A_37 = arith.constant 5080 : index
    %swap3A_38 = tpu.vector_load %arg7[%swap3A_37] {strides = array<i32>} : memref<5120xi32, #tpu.memory_space<vmem>>, vector<16xi32>,
    tpu.vector_store %arg7[%swap3A_37], %mul3A_5 {strides = array<i32>} : memref<5120xi32, #tpu.memory_space<vmem>>, vector<16xi32>,
    %swap3A_39 = arith.constant 5096 : index
    %swap3A_40 = tpu.vector_load %arg6[%swap3A_39] {strides = array<i32>} : memref<5120xi32, #tpu.memory_space<vmem>>, vector<16xi32>,
    tpu.vector_store %arg6[%swap3A_39], %mul3A_5 {strides = array<i32>} : memref<5120xi32, #tpu.memory_space<vmem>>, vector<16xi32>,
    %swap3A_41 = arith.constant 5096 : index
    %swap3A_42 = tpu.vector_load %arg7[%swap3A_41] {strides = array<i32>} : memref<5120xi32, #tpu.memory_space<vmem>>, vector<16xi32>,
    tpu.vector_store %arg7[%swap3A_41], %mul3A_5 {strides = array<i32>} : memref<5120xi32, #tpu.memory_space<vmem>>, vector<16xi32>,
    %swap3A_43 = arith.constant 5104 : index
    %swap3A_44 = tpu.vector_load %arg6[%swap3A_43] {strides = array<i32>} : memref<5120xi32, #tpu.memory_space<vmem>>, vector<16xi32>,
    tpu.vector_store %arg6[%swap3A_43], %mul3A_5 {strides = array<i32>} : memref<5120xi32, #tpu.memory_space<vmem>>, vector<16xi32>,
    %swap3A_45 = arith.constant 5104 : index
    %swap3A_46 = tpu.vector_load %arg7[%swap3A_45] {strides = array<i32>} : memref<5120xi32, #tpu.memory_space<vmem>>, vector<16xi32>,
    tpu.vector_store %arg7[%swap3A_45], %mul3A_5 {strides = array<i32>} : memref<5120xi32, #tpu.memory_space<vmem>>, vector<16xi32>,
    %scan3A_47 = arith.constant 0 : i32
    %scan3A_48 = arith.constant 0 : i32
    %scan3A_49 = arith.constant 320 : i32
    %scan3A_50 = arith.addi %scan3A_48, %scan3A_49 : i32
    %scan3A_51 = arith.constant 1 : i32
    scf.for %scan3A_57 = %scan3A_48 to %scan3A_50 step %scan3A_51  : i32 {
      %mul3A_58 = arith.constant 16 : i32
      %mul3A_59 = arith.muli %scan3A_57, %mul3A_58 : i32
      %get3A = arith.index_cast %mul3A_59 : i32 to index
      %get3A_60 = tpu.vector_load %arg6[%get3A] {strides = array<i32>} : memref<5120xi32, #tpu.memory_space<vmem>>, vector<16xi32>,
      %get3A_61 = arith.index_cast %mul3A_59 : i32 to index
      %get3A_62 = tpu.vector_load %arg7[%get3A_61] {strides = array<i32>} : memref<5120xi32, #tpu.memory_space<vmem>>, vector<16xi32>,
      %eq3A = arith.cmpi eq, %get3A_60, %get3A_62 : vector<16xi32>
      %jit3A = arith.constant 10000 : i32
      %broadcast_in_dim3A = vector.broadcast %jit3A : i32 to vector<16xi32>
      %select_n3A = arith.select %eq3A, %broadcast_in_dim3A, %get3A_62 : vector<16xi1>, vector<16xi32>
      %swap3A_63 = arith.index_cast %mul3A_59 : i32 to index
      %swap3A_64 = tpu.vector_load %arg7[%swap3A_63] {strides = array<i32>} : memref<5120xi32, #tpu.memory_space<vmem>>, vector<16xi32>,
      tpu.vector_store %arg7[%swap3A_63], %select_n3A {strides = array<i32>} : memref<5120xi32, #tpu.memory_space<vmem>>, vector<16xi32>,
      %jit3A_65 = arith.constant 10239 : i32
      %broadcast_in_dim3A_66 = vector.broadcast %jit3A_65 : i32 to vector<16xi32>
      %select_n3A_67 = arith.select %eq3A, %broadcast_in_dim3A_66, %get3A_60 : vector<16xi1>, vector<16xi32>
      tpu.vector_store_idx %arg8[%select_n3A_67], %add3A_8 {add = true} : memref<10240xf32, #tpu.memory_space<vmem>>[vector<16xi32>], vector<16xf32>,
    }
    %scan3A_52 = arith.constant 320 : i32
    %mul3A_53 = arith.constant 5120 : i32
    %mul3A_54 = arith.muli %add3A, %mul3A_53 : i32
    "tpu.region"() ({
      %run_scoped3A = tpu.sem_alloc : memref<!tpu.dma_semaphore, #tpu.memory_space<semaphore_mem>>
      %dma_start3A = tpu.memref_slice %arg3[%mul3A_54] : memref<163840xi32, #tpu.memory_space<hbm>> -> memref<5120xi32, #tpu.memory_space<hbm>>
      %dma_start3A_57 = tpu.memref_slice %arg3[%mul3A_54] : memref<163840xi32, #tpu.memory_space<hbm>> -> memref<5120xi32, #tpu.memory_space<hbm>>
      tpu.enqueue_dma source(%arg6 : memref<5120xi32, #tpu.memory_space<vmem>>) target(%dma_start3A_57 : memref<5120xi32, #tpu.memory_space<hbm>>) target_semaphore(%run_scoped3A : memref<!tpu.dma_semaphore, #tpu.memory_space<semaphore_mem>>)
      %dma_wait3A = tpu.memref_slice %arg3[%mul3A_54] : memref<163840xi32, #tpu.memory_space<hbm>> -> memref<5120xi32, #tpu.memory_space<hbm>>
      %dma_wait3A_58 = tpu.memref_slice %arg3[%mul3A_54] : memref<163840xi32, #tpu.memory_space<hbm>> -> memref<5120xi32, #tpu.memory_space<hbm>>
      tpu.wait_dma2 semaphore(%run_scoped3A : memref<!tpu.dma_semaphore, #tpu.memory_space<semaphore_mem>>) src(%arg6 : memref<5120xi32, #tpu.memory_space<vmem>>) dst(%dma_wait3A_58 : memref<5120xi32, #tpu.memory_space<hbm>>)
      tpu.yield
    }) : () -> ()
    %mul3A_55 = arith.constant 5120 : i32
    %mul3A_56 = arith.muli %add3A, %mul3A_55 : i32
    "tpu.region"() ({
      %run_scoped3A = tpu.sem_alloc : memref<!tpu.dma_semaphore, #tpu.memory_space<semaphore_mem>>
      %dma_start3A = tpu.memref_slice %arg4[%mul3A_56] : memref<163840xi32, #tpu.memory_space<hbm>> -> memref<5120xi32, #tpu.memory_space<hbm>>
      %dma_start3A_57 = tpu.memref_slice %arg4[%mul3A_56] : memref<163840xi32, #tpu.memory_space<hbm>> -> memref<5120xi32, #tpu.memory_space<hbm>>
      tpu.enqueue_dma source(%arg7 : memref<5120xi32, #tpu.memory_space<vmem>>) target(%dma_start3A_57 : memref<5120xi32, #tpu.memory_space<hbm>>) target_semaphore(%run_scoped3A : memref<!tpu.dma_semaphore, #tpu.memory_space<semaphore_mem>>)
      %dma_wait3A = tpu.memref_slice %arg4[%mul3A_56] : memref<163840xi32, #tpu.memory_space<hbm>> -> memref<5120xi32, #tpu.memory_space<hbm>>
      %dma_wait3A_58 = tpu.memref_slice %arg4[%mul3A_56] : memref<163840xi32, #tpu.memory_space<hbm>> -> memref<5120xi32, #tpu.memory_space<hbm>>
      tpu.wait_dma2 semaphore(%run_scoped3A : memref<!tpu.dma_semaphore, #tpu.memory_space<semaphore_mem>>) src(%arg7 : memref<5120xi32, #tpu.memory_space<vmem>>) dst(%dma_wait3A_58 : memref<5120xi32, #tpu.memory_space<hbm>>)
      tpu.yield
    }) : () -> ()
    "tpu.region"() ({
      %run_scoped3A = tpu.sem_alloc : memref<!tpu.dma_semaphore, #tpu.memory_space<semaphore_mem>>
      %dma_start3A = arith.constant 0 : i32
      %dma_start3A_57 = tpu.memref_slice %arg5[%add3A, %dma_start3A] : memref<32x10240xf32, #tpu.memory_space<hbm>> -> memref<1x10240xf32, #tpu.memory_space<hbm>>
      %dma_start3A_58 = tpu.memref_squeeze %dma_start3A_57 : memref<1x10240xf32, #tpu.memory_space<hbm>> -> memref<10240xf32, #tpu.memory_space<hbm>>
      %dma_start3A_59 = arith.constant 0 : i32
      %dma_start3A_60 = tpu.memref_slice %arg5[%add3A, %dma_start3A_59] : memref<32x10240xf32, #tpu.memory_space<hbm>> -> memref<1x10240xf32, #tpu.memory_space<hbm>>
      %dma_start3A_61 = tpu.memref_squeeze %dma_start3A_60 : memref<1x10240xf32, #tpu.memory_space<hbm>> -> memref<10240xf32, #tpu.memory_space<hbm>>
      tpu.enqueue_dma source(%arg8 : memref<10240xf32, #tpu.memory_space<vmem>>) target(%dma_start3A_61 : memref<10240xf32, #tpu.memory_space<hbm>>) target_semaphore(%run_scoped3A : memref<!tpu.dma_semaphore, #tpu.memory_space<semaphore_mem>>)
      %dma_wait3A = arith.constant 0 : i32
      %dma_wait3A_62 = tpu.memref_slice %arg5[%add3A, %dma_wait3A] : memref<32x10240xf32, #tpu.memory_space<hbm>> -> memref<1x10240xf32, #tpu.memory_space<hbm>>
      %dma_wait3A_63 = tpu.memref_squeeze %dma_wait3A_62 : memref<1x10240xf32, #tpu.memory_space<hbm>> -> memref<10240xf32, #tpu.memory_space<hbm>>
      %dma_wait3A_64 = arith.constant 0 : i32
      %dma_wait3A_65 = tpu.memref_slice %arg5[%add3A, %dma_wait3A_64] : memref<32x10240xf32, #tpu.memory_space<hbm>> -> memref<1x10240xf32, #tpu.memory_space<hbm>>
      %dma_wait3A_66 = tpu.memref_squeeze %dma_wait3A_65 : memref<1x10240xf32, #tpu.memory_space<hbm>> -> memref<10240xf32, #tpu.memory_space<hbm>>
      tpu.wait_dma2 semaphore(%run_scoped3A : memref<!tpu.dma_semaphore, #tpu.memory_space<semaphore_mem>>) src(%arg8 : memref<10240xf32, #tpu.memory_space<vmem>>) dst(%dma_wait3A_66 : memref<10240xf32, #tpu.memory_space<hbm>>)
      tpu.yield
    }) : () -> ()
    return
  }
}

module attributes {stable_mosaic.version = 14 : i64} {
  func.func @_tc_d2_body(%arg0: i32, %arg1: memref<1024x32xf32, #tpu.memory_space<vmem>>, %arg2: memref<1024x128xf32, #tpu.memory_space<vmem>>, %arg3: memref<1024x1xf32, #tpu.memory_space<vmem>>, %arg4: memref<1x32xf32, #tpu.memory_space<vmem>>, %arg5: memref<32x16xf32, #tpu.memory_space<vmem>>, %arg6: memref<32x16xf32, #tpu.memory_space<vmem>>, %arg7: memref<1024x16xf32, #tpu.memory_space<vmem>>, %arg8: memref<1024x16xf32, #tpu.memory_space<vmem>>) attributes {dimension_semantics = [#tpu.dimension_semantics<arbitrary>], iteration_bounds = array<i64: 10>, scalar_prefetch = 0 : i64, scratch_operands = 0 : i64, tpu.core_type = #tpu.core_type<tc>, window_params = [{transform_indices = @transform_0, window_bounds = array<i64: 1024, 32>}, {transform_indices = @transform_1, window_bounds = array<i64: 1024, 128>}, {transform_indices = @transform_2, window_bounds = array<i64: 1024, 1>}, {pipeline_mode = #tpu.pipeline_mode<synchronous>, transform_indices = @transform_3, window_bounds = array<i64: 1, 32>}, {pipeline_mode = #tpu.pipeline_mode<synchronous>, transform_indices = @transform_4, window_bounds = array<i64: 32, 16>}, {pipeline_mode = #tpu.pipeline_mode<synchronous>, transform_indices = @transform_5, window_bounds = array<i64: 32, 16>}, {transform_indices = @transform_6, window_bounds = array<i64: 1024, 16>}, {transform_indices = @transform_7, window_bounds = array<i64: 1024, 16>}]} {
    %get3A = arith.constant 0 : index
    %get3A_0 = arith.constant 0 : index
    %get3A_1 = vector.load %arg2[%get3A, %get3A_0] : memref<1024x128xf32, #tpu.memory_space<vmem>>, vector<1024x32xf32>
    %get3A_2 = arith.constant 0 : index
    %get3A_3 = arith.constant 32 : index
    %get3A_4 = vector.load %arg2[%get3A_2, %get3A_3] : memref<1024x128xf32, #tpu.memory_space<vmem>>, vector<1024x32xf32>
    %add3A = arith.addf %get3A_1, %get3A_4 : vector<1024x32xf32>
    %get3A_5 = arith.constant 0 : index
    %get3A_6 = arith.constant 0 : index
    %get3A_7 = vector.load %arg3[%get3A_5, %get3A_6] : memref<1024x1xf32, #tpu.memory_space<vmem>>, vector<1024x1xf32>
    %get3A_8 = arith.constant 0 : index
    %get3A_9 = arith.constant 0 : index
    %get3A_10 = vector.load %arg1[%get3A_8, %get3A_9] : memref<1024x32xf32, #tpu.memory_space<vmem>>, vector<1024x32xf32>
    %mul3A = vector.broadcast %get3A_7 : vector<1024x1xf32> to vector<1024x32xf32>
    %mul3A_11 = arith.mulf %mul3A, %add3A : vector<1024x32xf32>
    %sub3A = arith.subf %get3A_10, %mul3A_11 : vector<1024x32xf32>
    %get3A_12 = arith.constant 0 : index
    %get3A_13 = arith.constant 0 : index
    %get3A_14 = vector.load %arg4[%get3A_12, %get3A_13] : memref<1x32xf32, #tpu.memory_space<vmem>>, vector<1x32xf32>
    %add3A_15 = vector.broadcast %get3A_14 : vector<1x32xf32> to vector<1024x32xf32>
    %add3A_16 = arith.addf %sub3A, %add3A_15 : vector<1024x32xf32>
    %max3A = arith.constant 0.000000e+00 : f32
    %max3A_17 = vector.broadcast %max3A : f32 to vector<1024x32xf32>
    %max3A_18 = arith.maximumf %add3A_16, %max3A_17 : vector<1024x32xf32>
    %get3A_19 = arith.constant 0 : index
    %get3A_20 = arith.constant 0 : index
    %get3A_21 = vector.load %arg5[%get3A_19, %get3A_20] : memref<32x16xf32, #tpu.memory_space<vmem>>, vector<32x16xf32>
    %dot_general3A = arith.constant dense<0.000000e+00> : vector<1024x16xf32>
    %dot_general3A_22 = tpu.matmul %max3A_18, %get3A_21, %dot_general3A {dimension_numbers = #tpu.dot_dimension_numbers<[1], [0], [0], [1], [0, 0, 1, 1], [], []>, transpose_lhs_hint = false} : vector<1024x32xf32>, vector<32x16xf32>, vector<1024x16xf32> -> vector<1024x16xf32>
    %swap3A = arith.constant 0 : index
    %swap3A_23 = arith.constant 0 : index
    %swap3A_24 = vector.load %arg7[%swap3A, %swap3A_23] : memref<1024x16xf32, #tpu.memory_space<vmem>>, vector<1024x16xf32>
    tpu.vector_store %arg7[%swap3A, %swap3A_23], %dot_general3A_22 {strides = array<i32>} : memref<1024x16xf32, #tpu.memory_space<vmem>>, vector<1024x16xf32>,
    %get3A_25 = arith.constant 0 : index
    %get3A_26 = arith.constant 0 : index
    %get3A_27 = vector.load %arg6[%get3A_25, %get3A_26] : memref<32x16xf32, #tpu.memory_space<vmem>>, vector<32x16xf32>
    %dot_general3A_28 = arith.constant dense<0.000000e+00> : vector<1024x16xf32>
    %dot_general3A_29 = tpu.matmul %max3A_18, %get3A_27, %dot_general3A_28 {dimension_numbers = #tpu.dot_dimension_numbers<[1], [0], [0], [1], [0, 0, 1, 1], [], []>, transpose_lhs_hint = false} : vector<1024x32xf32>, vector<32x16xf32>, vector<1024x16xf32> -> vector<1024x16xf32>
    %mul3A_30 = vector.broadcast %get3A_7 : vector<1024x1xf32> to vector<1024x16xf32>
    %mul3A_31 = arith.mulf %dot_general3A_29, %mul3A_30 : vector<1024x16xf32>
    %swap3A_32 = arith.constant 0 : index
    %swap3A_33 = arith.constant 0 : index
    %swap3A_34 = vector.load %arg8[%swap3A_32, %swap3A_33] : memref<1024x16xf32, #tpu.memory_space<vmem>>, vector<1024x16xf32>
    tpu.vector_store %arg8[%swap3A_32, %swap3A_33], %mul3A_31 {strides = array<i32>} : memref<1024x16xf32, #tpu.memory_space<vmem>>, vector<1024x16xf32>,
    return
  }
  func.func @transform_0(%arg0: i32) -> (i32, i32) {
    %c0_i32 = arith.constant 0 : i32
    %c0_i32_0 = arith.constant 0 : i32
    return %arg0, %c0_i32 : i32, i32
  }
  func.func @transform_1(%arg0: i32) -> (i32, i32) {
    %c0_i32 = arith.constant 0 : i32
    %c0_i32_0 = arith.constant 0 : i32
    return %arg0, %c0_i32 : i32, i32
  }
  func.func @transform_2(%arg0: i32) -> (i32, i32) {
    %c0_i32 = arith.constant 0 : i32
    %c0_i32_0 = arith.constant 0 : i32
    return %arg0, %c0_i32 : i32, i32
  }
  func.func @transform_3(%arg0: i32) -> (i32, i32) {
    %c0_i32 = arith.constant 0 : i32
    %c0_i32_0 = arith.constant 0 : i32
    %c0_i32_1 = arith.constant 0 : i32
    return %c0_i32, %c0_i32_0 : i32, i32
  }
  func.func @transform_4(%arg0: i32) -> (i32, i32) {
    %c0_i32 = arith.constant 0 : i32
    %c0_i32_0 = arith.constant 0 : i32
    %c0_i32_1 = arith.constant 0 : i32
    return %c0_i32, %c0_i32_0 : i32, i32
  }
  func.func @transform_5(%arg0: i32) -> (i32, i32) {
    %c0_i32 = arith.constant 0 : i32
    %c0_i32_0 = arith.constant 0 : i32
    %c0_i32_1 = arith.constant 0 : i32
    return %c0_i32, %c0_i32_0 : i32, i32
  }
  func.func @transform_6(%arg0: i32) -> (i32, i32) {
    %c0_i32 = arith.constant 0 : i32
    %c0_i32_0 = arith.constant 0 : i32
    return %arg0, %c0_i32 : i32, i32
  }
  func.func @transform_7(%arg0: i32) -> (i32, i32) {
    %c0_i32 = arith.constant 0 : i32
    %c0_i32_0 = arith.constant 0 : i32
    return %arg0, %c0_i32 : i32, i32
  }
}

module attributes {stable_mosaic.version = 14 : i64} {
  func.func @_tc_d1_body(%arg0: i32, %arg1: memref<1024x256xf32, #tpu.memory_space<vmem>>, %arg2: memref<256x32xf32, #tpu.memory_space<vmem>>, %arg3: memref<256x32xf32, #tpu.memory_space<vmem>>, %arg4: memref<32x1024xf32, #tpu.memory_space<vmem>>, %arg5: memref<1024x32xf32, #tpu.memory_space<vmem>>, %arg6: memref<1024x1xf32, #tpu.memory_space<vmem>>, %arg7: memref<1024x32xf32, #tpu.memory_space<vmem>>) attributes {dimension_semantics = [#tpu.dimension_semantics<arbitrary>], iteration_bounds = array<i64: 10>, scalar_prefetch = 0 : i64, scratch_operands = 0 : i64, tpu.core_type = #tpu.core_type<tc>, window_params = [{transform_indices = @transform_0, window_bounds = array<i64: 1024, 256>}, {pipeline_mode = #tpu.pipeline_mode<synchronous>, transform_indices = @transform_1, window_bounds = array<i64: 256, 32>}, {pipeline_mode = #tpu.pipeline_mode<synchronous>, transform_indices = @transform_2, window_bounds = array<i64: 256, 32>}, {transform_indices = @transform_3, window_bounds = array<i64: 32, 1024>}, {transform_indices = @transform_4, window_bounds = array<i64: 1024, 32>}, {transform_indices = @transform_5, window_bounds = array<i64: 1024, 1>}, {transform_indices = @transform_6, window_bounds = array<i64: 1024, 32>}]} {
    %get3A = arith.constant 0 : index
    %get3A_0 = arith.constant 0 : index
    %get3A_1 = vector.load %arg4[%get3A, %get3A_0] : memref<32x1024xf32, #tpu.memory_space<vmem>>, vector<32x1024xf32>
    %reduce_sum3A = arith.constant dense<0.000000e+00> : vector<1024xf32>
    %reduce_sum3A_2 = vector.multi_reduction <add>, %get3A_1, %reduce_sum3A [0] : vector<32x1024xf32> to vector<1024xf32>
    %broadcast_in_dim3A = vector.shape_cast %reduce_sum3A_2 : vector<1024xf32> to vector<1x1024xf32>
    %gt3A = arith.constant 0.000000e+00 : f32
    %gt3A_3 = vector.broadcast %gt3A : f32 to vector<1x1024xf32>
    %gt3A_4 = arith.cmpf ogt, %broadcast_in_dim3A, %gt3A_3 : vector<1x1024xf32>
    %jit3A = arith.constant 1.000000e+00 : f32
    %broadcast_in_dim3A_5 = vector.broadcast %jit3A : f32 to vector<1x1024xf32>
    %select_n3A = arith.select %gt3A_4, %broadcast_in_dim3A, %broadcast_in_dim3A_5 : vector<1x1024xi1>, vector<1x1024xf32>
    %gt3A_6 = arith.constant 0.000000e+00 : f32
    %gt3A_7 = vector.broadcast %gt3A_6 : f32 to vector<1x1024xf32>
    %gt3A_8 = arith.cmpf ogt, %broadcast_in_dim3A, %gt3A_7 : vector<1x1024xf32>
    %rsqrt3A = math.rsqrt %select_n3A : vector<1x1024xf32>
    %jit3A_9 = arith.constant 0.000000e+00 : f32
    %broadcast_in_dim3A_10 = vector.broadcast %jit3A_9 : f32 to vector<1x1024xf32>
    %select_n3A_11 = arith.select %gt3A_8, %rsqrt3A, %broadcast_in_dim3A_10 : vector<1x1024xi1>, vector<1x1024xf32>
    %reshape3A = vector.shape_cast %select_n3A_11 : vector<1x1024xf32> to vector<1024x1xf32>
    %swap3A = arith.constant 0 : index
    %swap3A_12 = arith.constant 0 : index
    %swap3A_13 = vector.load %arg6[%swap3A, %swap3A_12] : memref<1024x1xf32, #tpu.memory_space<vmem>>, vector<1024x1xf32>
    tpu.vector_store %arg6[%swap3A, %swap3A_12], %reshape3A {strides = array<i32>} : memref<1024x1xf32, #tpu.memory_space<vmem>>, vector<1024x1xf32>,
    %get3A_14 = arith.constant 0 : index
    %get3A_15 = arith.constant 0 : index
    %get3A_16 = vector.load %arg1[%get3A_14, %get3A_15] : memref<1024x256xf32, #tpu.memory_space<vmem>>, vector<1024x256xf32>
    %get3A_17 = arith.constant 0 : index
    %get3A_18 = arith.constant 0 : index
    %get3A_19 = vector.load %arg2[%get3A_17, %get3A_18] : memref<256x32xf32, #tpu.memory_space<vmem>>, vector<256x32xf32>
    %dot_general3A = arith.constant dense<0.000000e+00> : vector<1024x32xf32>
    %dot_general3A_20 = tpu.matmul %get3A_16, %get3A_19, %dot_general3A {dimension_numbers = #tpu.dot_dimension_numbers<[1], [0], [0], [1], [0, 0, 1, 1], [], []>, transpose_lhs_hint = false} : vector<1024x256xf32>, vector<256x32xf32>, vector<1024x32xf32> -> vector<1024x32xf32>
    %swap3A_21 = arith.constant 0 : index
    %swap3A_22 = arith.constant 0 : index
    %swap3A_23 = vector.load %arg5[%swap3A_21, %swap3A_22] : memref<1024x32xf32, #tpu.memory_space<vmem>>, vector<1024x32xf32>
    tpu.vector_store %arg5[%swap3A_21, %swap3A_22], %dot_general3A_20 {strides = array<i32>} : memref<1024x32xf32, #tpu.memory_space<vmem>>, vector<1024x32xf32>,
    %get3A_24 = arith.constant 0 : index
    %get3A_25 = arith.constant 0 : index
    %get3A_26 = vector.load %arg3[%get3A_24, %get3A_25] : memref<256x32xf32, #tpu.memory_space<vmem>>, vector<256x32xf32>
    %dot_general3A_27 = arith.constant dense<0.000000e+00> : vector<1024x32xf32>
    %dot_general3A_28 = tpu.matmul %get3A_16, %get3A_26, %dot_general3A_27 {dimension_numbers = #tpu.dot_dimension_numbers<[1], [0], [0], [1], [0, 0, 1, 1], [], []>, transpose_lhs_hint = false} : vector<1024x256xf32>, vector<256x32xf32>, vector<1024x32xf32> -> vector<1024x32xf32>
    %mul3A = vector.broadcast %reshape3A : vector<1024x1xf32> to vector<1024x32xf32>
    %mul3A_29 = arith.mulf %dot_general3A_28, %mul3A : vector<1024x32xf32>
    %swap3A_30 = arith.constant 0 : index
    %swap3A_31 = arith.constant 0 : index
    %swap3A_32 = vector.load %arg7[%swap3A_30, %swap3A_31] : memref<1024x32xf32, #tpu.memory_space<vmem>>, vector<1024x32xf32>
    tpu.vector_store %arg7[%swap3A_30, %swap3A_31], %mul3A_29 {strides = array<i32>} : memref<1024x32xf32, #tpu.memory_space<vmem>>, vector<1024x32xf32>,
    return
  }
  func.func @transform_0(%arg0: i32) -> (i32, i32) {
    %c0_i32 = arith.constant 0 : i32
    %c0_i32_0 = arith.constant 0 : i32
    return %arg0, %c0_i32 : i32, i32
  }
  func.func @transform_1(%arg0: i32) -> (i32, i32) {
    %c0_i32 = arith.constant 0 : i32
    %c0_i32_0 = arith.constant 0 : i32
    %c0_i32_1 = arith.constant 0 : i32
    return %c0_i32, %c0_i32_0 : i32, i32
  }
  func.func @transform_2(%arg0: i32) -> (i32, i32) {
    %c0_i32 = arith.constant 0 : i32
    %c0_i32_0 = arith.constant 0 : i32
    %c0_i32_1 = arith.constant 0 : i32
    return %c0_i32, %c0_i32_0 : i32, i32
  }
  func.func @transform_3(%arg0: i32) -> (i32, i32) {
    %c0_i32 = arith.constant 0 : i32
    %c0_i32_0 = arith.constant 0 : i32
    return %c0_i32, %arg0 : i32, i32
  }
  func.func @transform_4(%arg0: i32) -> (i32, i32) {
    %c0_i32 = arith.constant 0 : i32
    %c0_i32_0 = arith.constant 0 : i32
    return %arg0, %c0_i32 : i32, i32
  }
  func.func @transform_5(%arg0: i32) -> (i32, i32) {
    %c0_i32 = arith.constant 0 : i32
    %c0_i32_0 = arith.constant 0 : i32
    return %arg0, %c0_i32 : i32, i32
  }
  func.func @transform_6(%arg0: i32) -> (i32, i32) {
    %c0_i32 = arith.constant 0 : i32
    %c0_i32_0 = arith.constant 0 : i32
    return %arg0, %c0_i32 : i32, i32
  }
}

module attributes {stable_mosaic.version = 14 : i64} {
  func.func @_tc_fin_body(%arg0: i32, %arg1: memref<1024x16xf32, #tpu.memory_space<vmem>>, %arg2: memref<1024x128xf32, #tpu.memory_space<vmem>>, %arg3: memref<1024x1xf32, #tpu.memory_space<vmem>>, %arg4: memref<1x16xf32, #tpu.memory_space<vmem>>, %arg5: memref<1024x16xf32, #tpu.memory_space<vmem>>) attributes {dimension_semantics = [#tpu.dimension_semantics<arbitrary>], iteration_bounds = array<i64: 10>, scalar_prefetch = 0 : i64, scratch_operands = 0 : i64, tpu.core_type = #tpu.core_type<tc>, window_params = [{transform_indices = @transform_0, window_bounds = array<i64: 1024, 16>}, {transform_indices = @transform_1, window_bounds = array<i64: 1024, 128>}, {transform_indices = @transform_2, window_bounds = array<i64: 1024, 1>}, {pipeline_mode = #tpu.pipeline_mode<synchronous>, transform_indices = @transform_3, window_bounds = array<i64: 1, 16>}, {transform_indices = @transform_4, window_bounds = array<i64: 1024, 16>}]} {
    %get3A = arith.constant 0 : index
    %get3A_0 = arith.constant 0 : index
    %get3A_1 = vector.load %arg2[%get3A, %get3A_0] : memref<1024x128xf32, #tpu.memory_space<vmem>>, vector<1024x16xf32>
    %get3A_2 = arith.constant 0 : index
    %get3A_3 = arith.constant 16 : index
    %get3A_4 = vector.load %arg2[%get3A_2, %get3A_3] : memref<1024x128xf32, #tpu.memory_space<vmem>>, vector<1024x16xf32>
    %add3A = arith.addf %get3A_1, %get3A_4 : vector<1024x16xf32>
    %get3A_5 = arith.constant 0 : index
    %get3A_6 = arith.constant 0 : index
    %get3A_7 = vector.load %arg1[%get3A_5, %get3A_6] : memref<1024x16xf32, #tpu.memory_space<vmem>>, vector<1024x16xf32>
    %get3A_8 = arith.constant 0 : index
    %get3A_9 = arith.constant 0 : index
    %get3A_10 = vector.load %arg3[%get3A_8, %get3A_9] : memref<1024x1xf32, #tpu.memory_space<vmem>>, vector<1024x1xf32>
    %mul3A = vector.broadcast %get3A_10 : vector<1024x1xf32> to vector<1024x16xf32>
    %mul3A_11 = arith.mulf %mul3A, %add3A : vector<1024x16xf32>
    %sub3A = arith.subf %get3A_7, %mul3A_11 : vector<1024x16xf32>
    %get3A_12 = arith.constant 0 : index
    %get3A_13 = arith.constant 0 : index
    %get3A_14 = vector.load %arg4[%get3A_12, %get3A_13] : memref<1x16xf32, #tpu.memory_space<vmem>>, vector<1x16xf32>
    %add3A_15 = vector.broadcast %get3A_14 : vector<1x16xf32> to vector<1024x16xf32>
    %add3A_16 = arith.addf %sub3A, %add3A_15 : vector<1024x16xf32>
    %reduce_max3A = arith.constant dense<0xFF800000> : vector<1024xf32>
    %reduce_max3A_17 = vector.multi_reduction <maximumf>, %add3A_16, %reduce_max3A [1] : vector<1024x16xf32> to vector<1024xf32>
    %broadcast_in_dim3A = vector.shape_cast %reduce_max3A_17 : vector<1024xf32> to vector<1024x1xf32>
    %sub3A_18 = vector.broadcast %broadcast_in_dim3A : vector<1024x1xf32> to vector<1024x16xf32>
    %sub3A_19 = arith.subf %add3A_16, %sub3A_18 : vector<1024x16xf32>
    %exp3A = math.exp %sub3A_19 : vector<1024x16xf32>
    %reduce_sum3A = arith.constant dense<0.000000e+00> : vector<1024xf32>
    %reduce_sum3A_20 = vector.multi_reduction <add>, %exp3A, %reduce_sum3A [1] : vector<1024x16xf32> to vector<1024xf32>
    %broadcast_in_dim3A_21 = vector.shape_cast %reduce_sum3A_20 : vector<1024xf32> to vector<1024x1xf32>
    %log3A = math.log %broadcast_in_dim3A_21 : vector<1024x1xf32>
    %sub3A_22 = vector.broadcast %broadcast_in_dim3A : vector<1024x1xf32> to vector<1024x16xf32>
    %sub3A_23 = arith.subf %add3A_16, %sub3A_22 : vector<1024x16xf32>
    %sub3A_24 = vector.broadcast %log3A : vector<1024x1xf32> to vector<1024x16xf32>
    %sub3A_25 = arith.subf %sub3A_23, %sub3A_24 : vector<1024x16xf32>
    %swap3A = arith.constant 0 : index
    %swap3A_26 = arith.constant 0 : index
    %swap3A_27 = vector.load %arg5[%swap3A, %swap3A_26] : memref<1024x16xf32, #tpu.memory_space<vmem>>, vector<1024x16xf32>
    tpu.vector_store %arg5[%swap3A, %swap3A_26], %sub3A_25 {strides = array<i32>} : memref<1024x16xf32, #tpu.memory_space<vmem>>, vector<1024x16xf32>,
    return
  }
  func.func @transform_0(%arg0: i32) -> (i32, i32) {
    %c0_i32 = arith.constant 0 : i32
    %c0_i32_0 = arith.constant 0 : i32
    return %arg0, %c0_i32 : i32, i32
  }
  func.func @transform_1(%arg0: i32) -> (i32, i32) {
    %c0_i32 = arith.constant 0 : i32
    %c0_i32_0 = arith.constant 0 : i32
    return %arg0, %c0_i32 : i32, i32
  }
  func.func @transform_2(%arg0: i32) -> (i32, i32) {
    %c0_i32 = arith.constant 0 : i32
    %c0_i32_0 = arith.constant 0 : i32
    return %arg0, %c0_i32 : i32, i32
  }
  func.func @transform_3(%arg0: i32) -> (i32, i32) {
    %c0_i32 = arith.constant 0 : i32
    %c0_i32_0 = arith.constant 0 : i32
    %c0_i32_1 = arith.constant 0 : i32
    return %c0_i32, %c0_i32_0 : i32, i32
  }
  func.func @transform_4(%arg0: i32) -> (i32, i32) {
    %c0_i32 = arith.constant 0 : i32
    %c0_i32_0 = arith.constant 0 : i32
    return %arg0, %c0_i32 : i32, i32
  }
}

</mosaic_0001>

<sc_bundles>
// kernel: kernel.11.cloned.1.call-start
scs
__scs_entry_jumppad:
0x0: {  	(pc) =	sbr.rel $0x88, $3  }
0x1: {  	(tag) =	ssettag $0x0;
	lr =	simm.s32 $0x1  }
0x2: {  	[smem:$0x3F99] =	sst lr;
	_ =	strace $0xD0000000  }
0x3: {  	_ = 	snop  }
0x4: {  	_ = 	snop  }
0x5: {  	_ = 	snop  }
0x6: {  	_ = 	snop  }
0x7: {  	_ = 	snop  }
__scs_overlays_trampoline_lowered:
0x8: {  	[smem:$0x3FA8] =	sst s0  }
0x9: {  	[smem:$0x3FA9] =	sst s1  }
0xa: {  	[smem:$0x3FAA] =	sst s2  }
0xb: {  	[smem:$0x3FAB] =	sst s3  }
0xc: {  	[smem:$0x3FAC] =	sst s4  }
0xd: {  	[smem:$0x3FAD] =	sst s5  }
0xe: {  	[smem:$0x3FAE] =	sst s6  }
0xf: {  	[smem:$0x3FAF] =	sst s7  }
0x10: {  	[smem:$0x3FB0] =	sst s8  }
0x11: {  	[smem:$0x3FB1] =	sst s9;
	s0 =	simm.s32 @!p0 $0x0  }
0x12: {  	s1 =	sld [smem:$0x3F97];
	s0 =	simm.s32 @p0 $0x1  }
0x13: {  	[smem:$0x3FB2] =	sst s0;
	s0 =	simm.s32 @!p1 $0x0  }
0x14: {  	s2 =	sld [smem:$0x3F96];
	s0 =	simm.s32 @p1 $0x1  }
0x15: {  	[smem:$0x3FB3] =	sst s0;
	s0 =	simm.s32 @!p2 $0x0  }
0x16: {  	s3 =	sld [smem:$0x3FDB];
	s0 =	simm.s32 @p2 $0x1  }
0x17: {  	s4 =	simm.s32 $0x1BF5;
	[smem:$0x3FB5] =	sst s0  }
0x18: {  	s0 =	sld [smem:$0x3F98];
	_ =	swait.ge [sflag:s4], $0x0  }
0x19: {  	s7 =	sld [smem:$0x3F99]  }
0x1a: {  	s8 =	sadd.s32 $0xFFFFE003, lr  }
0x1b: {  	s9 =	sadd.s32 $0xFFFFFEF7, lr;
	s5 =	simm.s32 $0xFFFFFFFF;
	p2 =	slt.u32 s8, $0xFFFFF086  }
0x1c: {  	p1 =	slt.u32 s9, $0xF7A;
	s5 =	simm.s32 @!p2 $0x0  }
0x1d: {  	s5 =	simm.s32 @p1 $0x1;
	p0 =	seq.s32 s7, s2  }
0x1e: {  	s7 =	smul.u32 @!p0 $0xF7A, s2;
	p2 =	seq.s32 @!p0 s5, $0x0  }
0x1f: {  	s9 =	smul.u32 $0xF7A, s1;
	s8 =	simm.s32 @!p0 $0x1BF5;
	p2 =	por !p2, p0  }
0x20: {  	[sflag:s8] =	ssyncset.s32 @!p0 $0xFFFFF086;
	s6 =	sadd.s32 @!p0 s3, s7;
	s7 =	simm.s32 @!p0 $0x108  }
0x21: {  	s3 =	sadd.s32 s3, s9;
	s6 =	sadd.s32 @!p0 $0x88, s6;
	s7 =	simm.s32 @p2 $0x1082  }
0x22: {  	[simem:s7], [sflag:s8] =	dma.local @!p0 [hbm:s6], $0xF7A  }
0x23: {  	s9 =	sor.u32 $0xD0000000, s2;
	s6 =	simm.s32 $0x108;
	_ =	swait.ge @!p0 [sflag:s8], $0x0  }
0x24: {  	s3 =	sadd.s32 $0x88, s3;
	s6 =	simm.s32 @!p1 $0x1082;
	[sflag:s4] =	ssyncset.s32 $0xFFFFF086  }
0x25: {  	[simem:s6], [sflag:s4] =	dma.local [hbm:s3], $0xF7A  }
0x26: {  	[smem:$0x3F99] =	sst s1;
	(tag) =	ssettag s2;
	_ =	strace s9  }
0x27: {  	s1 =	sld [smem:$0x3FA9]  }
0x28: {  	s2 =	sld [smem:$0x3FAA]  }
0x29: {  	s4 =	sld [smem:$0x3FAC]  }
0x2a: {  	p0 =	seq.s32 s5, $0x0;
	s5 =	sld [smem:$0x3FAD]  }
0x2b: {  	s6 =	sld [smem:$0x3FAE]  }
0x2c: {  	s7 =	sld [smem:$0x3FAF]  }
0x2d: {  	s3 =	simm.s32 $0x108;
	s8 =	sld [smem:$0x3FB0]  }
0x2e: {  	s3 =	simm.s32 @!p0 $0x1082;
	s9 =	sld [smem:$0x3FB1]  }
0x2f: {  	lr =	sadd.s32 s0, s3;
	s0 =	sld [smem:$0x3FA8]  }
0x30: {  	s3 =	sld [smem:$0x3FAB]  }
0x31: {  	[smem:$0x3FB4] =	sst s10  }
0x32: {  	s10 =	sld [smem:$0x3FB2];
	_ =	sdelay $0x3  }
0x33: {  	p0 =	seq.s32 s10, $0x1;
	s10 =	sld [smem:$0x3FB4];
	_ =	sdelay $0x3  }
0x34: {  	[smem:$0x3FB4] =	sst s10  }
0x35: {  	s10 =	sld [smem:$0x3FB3];
	_ =	sdelay $0x3  }
0x36: {  	p1 =	seq.s32 s10, $0x1;
	s10 =	sld [smem:$0x3FB4];
	_ =	sdelay $0x3  }
0x37: {  	[smem:$0x3FB4] =	sst s10  }
0x38: {  	s10 =	sld [smem:$0x3FB5]  }
0x39: {  	_ = 	snop;
	(pc) =	sbr.ind lr, $3  }
0x3a: {  	_ = 	snop  }
0x3b: {  	_ = 	snop  }
0x3c: {  	p2 =	seq.s32 s10, $0x1;
	s10 =	sld [smem:$0x3FB4]  }
0x3d: {  	_ =	shalt  }
0x3e: {  	_ =	shalt  }
0x3f: {  	_ =	shalt  }
0x40: {  	_ =	shalt  }
0x41: {  	_ =	shalt  }
0x42: {  	_ =	shalt  }
0x43: {  	_ =	shalt  }
0x44: {  	_ =	shalt  }
0x45: {  	_ =	shalt  }
0x46: {  	_ =	shalt  }
0x47: {  	_ =	shalt  }
0x48: {  	_ =	shalt  }
0x49: {  	_ =	shalt  }
0x4a: {  	_ =	shalt  }
0x4b: {  	_ =	shalt  }
0x4c: {  	_ =	shalt  }
0x4d: {  	_ =	shalt  }
0x4e: {  	_ =	shalt  }
0x4f: {  	_ =	shalt  }
0x50: {  	_ =	shalt  }
0x51: {  	_ =	shalt  }
0x52: {  	_ =	shalt  }
0x53: {  	_ =	shalt  }
0x54: {  	_ =	shalt  }
0x55: {  	_ =	shalt  }
0x56: {  	_ =	shalt  }
0x57: {  	_ =	shalt  }
0x58: {  	_ =	shalt  }
0x59: {  	_ =	shalt  }
0x5a: {  	_ =	shalt  }
0x5b: {  	_ =	shalt  }
0x5c: {  	_ =	shalt  }
0x5d: {  	_ =	shalt  }
0x5e: {  	_ =	shalt  }
0x5f: {  	_ =	shalt  }
0x60: {  	_ =	shalt  }
0x61: {  	_ =	shalt  }
0x62: {  	_ =	shalt  }
0x63: {  	_ =	shalt  }
0x64: {  	_ =	shalt  }
0x65: {  	_ =	shalt  }
0x66: {  	_ =	shalt  }
0x67: {  	_ =	shalt  }
0x68: {  	_ =	shalt  }
0x69: {  	_ =	shalt  }
0x6a: {  	_ =	shalt  }
0x6b: {  	_ =	shalt  }
0x6c: {  	_ =	shalt  }
0x6d: {  	_ =	shalt  }
0x6e: {  	_ =	shalt  }
0x6f: {  	_ =	shalt  }
0x70: {  	_ =	shalt  }
0x71: {  	_ =	shalt  }
0x72: {  	_ =	shalt  }
0x73: {  	_ =	shalt  }
0x74: {  	_ =	shalt  }
0x75: {  	_ =	shalt  }
0x76: {  	_ =	shalt  }
0x77: {  	_ =	shalt  }
0x78: {  	_ =	shalt  }
0x79: {  	_ =	shalt  }
0x7a: {  	_ =	shalt  }
0x7b: {  	_ =	shalt  }
0x7c: {  	_ =	shalt  }
0x7d: {  	_ =	shalt  }
0x7e: {  	_ =	shalt  }
0x7f: {  	_ =	shalt  }
0x80: {  	_ =	shalt  }
0x81: {  	_ =	shalt  }
0x82: {  	_ =	shalt  }
0x83: {  	_ =	shalt  }
0x84: {  	_ =	shalt  }
0x85: {  	_ =	shalt  }
0x86: {  	_ =	shalt  }
0x87: {  	_ =	shalt  }
.Lfunc_end0:
.L_simem_size_0:
called_computation.1_lowered:
.L_overlay_start_0:
0x88: {  	s2 =	sld [smem:$0x3FD9]  }
0x89: {  	s3 =	sld [smem:$0x3FFE];
	_ =	sdelay $0x1  }
0x8a: {  	s1 =	srdreg.scid  }
0x8b: {  	s0 =	sand.u32 $0x1, s1  }
0x8c: {  	s16 =	sshll.u32 s0, $0xA;
	s2 =	sadd.s32 s3, s2  }
0x8d: {  	s2 =	sadd.s32 s2, s16  }
0x8e: {  	[smem:$0x3FC0] =	sst s2  }
0x8f: {  	_ = 	snop  }
0x90: {  	(tm) =	ssettm $0x1  }
0x91: {  	s17 =	sld [smem:$0x3FFB];
	_ =	sdelay $0x3  }
0x92: {  	_ =	strace s17  }
0x93: {  	s2 =	sld [smem:$0x3FFC];
	_ =	sdelay $0x3  }
0x94: {  	_ =	strace s2  }
0x95: {  	s2 =	sld [smem:$0x3FFD];
	_ =	sdelay $0x3  }
0x96: {  	_ =	strace s2  }
0x97: {  	_ =	strace $0x8FFFFFFF  }
0x98: {  	s18 =	sld [smem:$0x3FDB];
	_ =	sdelay $0x1  }
0x99: {  	s19 =	simm.s32 $_scs_section_size  }
0x9a: {  	s4 =	simm.s32 $_size__tile_overlayer_lowered;
	s5 =	simm.s32 $_tile_overlayer_lowered  }
0x9b: {  	s22 =	simm.s32 $0x1BFF;
	s21 =	sshll.u32 s5, $0x1;
	s2 =	sadd.s32 s19, s18  }
0x9c: {  	s6 =	simm.s32 $0x0;
	s20 =	sshll.u32 s4, $0x1;
	s4 =	sadd.s32 s21, s2  }
0x9d: {  	[timem:s6], [sflag:s22] =	dma.local [hbm:s4], s20  }
0x9e: {  	_ =	swait.ge [sflag:s22], s20  }
0x9f: {  	s3 =	ssub.s32 $0x0, s20;
	[sflag:s22] =	ssyncset.done $0x0  }
0xa0: {  	[sflag:s22] =	ssyncadd.s32 s3;
	_ =	sdelay $0x1  }
0xa1: {  	s23 =	simm.s32 $0x1B8B  }
0xa2: {  	_ =	swait.ge [sflag:s23], $0x1  }
0xa3: {  	[sflag:s23] =	ssyncset.done $0x0  }
0xa4: {  	s25 =	simm.s32 $0x1B8E;
	s24 =	sld [smem:$0x3FFE];
	[sflag:s23] =	ssyncadd.s32 $0xFFFFFFFF  }
0xa5: {  	s26 =	simm.s32 $execute0_lowered;
	[smem:$0x3FD2] =	sst s25  }
0xa6: {  	s4 =	sshll.u32 s26, $0x1;
	_ =	strace $0x80000049;
	[dreg:$0x1] =	wrdreg $0xFFFFFFFF  }
0xa7: {  	s28 =	simm.s32 $_size_execute0_lowered;
	s2 =	sadd.s32 s2, s4;
	[dreg:$0x0] =	wrdreg $0x0  }
0xa8: {  	s4 =	sshll.u32 s28, $0x1;
	[dreg:$0x2] =	wrdreg s2  }
0xa9: {  	[dreg:$0x3] =	wrdreg s4  }
0xaa: {  	[dreg:$0x4] =	wrdreg $0xC0  }
0xab: {  	_ =	task [dreg:s6], $0x5FFFF  }
0xac: {  	[dreg:$0x1] =	wrdreg $0xFFFFFFFF  }
0xad: {  	[dreg:$0x0] =	wrdreg $0x60  }
0xae: {  	[dreg:$0x2] =	wrdreg s24  }
0xaf: {  	[dreg:$0x3] =	wrdreg $0x178000  }
0xb0: {  	[dreg:$0x4] =	wrdreg $0x9  }
0xb1: {  	_ =	task.clear_ibuf [dreg:s6], $0x5FFFF;
	_ =	strace $0x90000049  }
0xb2: {  	s29 =	simm.s32 $0x9;
	_ =	strace $0x8000004B  }
0xb3: {  	_ =	swait.ge [sflag:s29], $0x1  }
0xb4: {  	[sflag:s29] =	ssyncadd.s32 $0xFFFFFFFF  }
0xb5: {  	_ =	strace $0x9000004B  }
0xb6: {  	_ =	sfence  }
0xb7: {  	s30 =	sld [smem:$0x0];
	_ =	sdelay $0x2  }
0xb8: {  	s31 =	sshll.u32 s1, $0xD;
	s1 =	sshrl.u32 s1, $0x2  }
0xb9: {  	s3 =	sand.u32 $0x4000, s31;
	s1 =	sadd.s32 s1, s30  }
0xba: {  	s0 =	sor.u32 s3, s0;
	s1 =	sshll.u32 s1, $0x11  }
0xbb: {  	s0 =	sor.u32 s1, s0  }
0xbc: {  	s0 =	sadd.s32 $0x8F2B, s0  }
0xbd: {  	[sflag:s0] =	ssyncadd.remote.s32 $0x1  }
0xbe: {  	_ =	sfence.sel $0xFFFF  }
0xbf: {  	[dreg:$0x0] =	wrdreg $0xFFFFFFFF;
	(pc) =	sbr.abs _section_cstart, $3  }
0xc0: {  	[dreg:$0x1] =	wrdreg $0xFFFFFFFF  }
0xc1: {  	_ =	task.clear_ibuf [dreg:s6], $0x2FFFF;
	_ =	strace $0x9FFFFFFF  }
0xc2: {  	(tm) =	ssettm $0x7FFFFFFF  }
0xc3: {  	_ =	shalt  }
tec
execute0_lowered:
.L_overlay_start_1:
0x0: {  	(tag) =	ssettag $0x1  }
0x1: {  	s0 =	rddreg [dreg:$0x0]  }
0x2: {  	s2 =	rddreg [dreg:$0x1]  }
0x3: {  	s1 =	srdreg.scid;
	s3 =	simm.s32 $0x0;
	s5 =	stileid.u32  }
0x4: {  	s10 =	simm.s32 $0x1400;
	s11 =	simm.s32 $0x12800;
	s12 =	simm.s32 $0x9  }
0x5: {  	s13 =	simm.s32 $0x1;
	s14 =	simm.s32 $0x2;
	s15 =	simm.s32 $0x200  }
0x6: {  	s16 =	simm.s32 $0x2800;
	s17 =	simm.s32 $0x6800;
	s19 =	simm.s32 $0xA800  }
0x7: {  	s21 =	simm.s32 $0xE800;
	s22 =	simm.s32 $0x5;
	s25 =	simm.s32 $0x6  }
0x8: {  	s28 =	simm.s32 $0x3;
	s30 =	simm.s32 $0x7;
	s18 =	simm.s32 $0x8  }
0x9: {  	s23 =	simm.s32 $0x2600;
	s24 =	simm.s32 $0x20;
	s26 =	simm.s32 $0x80  }
0xa: {  	s29 =	simm.s32 $0x0;
	s1 =	sand.u32 $0x1, s1;
	[smem:$0x7FF] =	sst s3  }
0xb: {  	s7 =	smul.u32 $0x14000, s5;
	s4 =	sshll.u32 s1, $0x4;
	_ =	strace $0x8000004A  }
0xc: {  	s31 =	sshll.u32 s1, $0x5;
	s1 =	ssub.s32 $0x2, s1;
	s4 =	sor.u32 s5, s4  }
0xd: {  	s5 =	sor.u32 s31, s7;
	s8 =	sshrl.u32 s1, $0x1;
	s6 =	smul.u32 $0x280, s4  }
0xe: {  	s7 =	sshrl.u32 s7, $0x2;
	s4 =	sadd.s32 $0x3000, s0;
	s5 =	sshrl.u32 s5, $0x3  }
0xf: {  	s1 =	ssub.s32 s1, s8;
	s7 =	sadd.s32 s7, s2;
	s6 =	sadd.s32 s6, s0  }
0x10: {  	s9 =	smax.u32 s1, $0x1;
	s0 =	sadd.s32 s5, s0;
	s5 =	sadd.s32 $0x16E00, s6  }
0x11: {  	v0 =	vimm.f32 $0.0e+00;
	s6 =	sadd.s32 $0x1BE00, s6;
	s8 =	sadd.s32 $0x48E00, s0;
	s0 =	simm.s32 $0x4  }
.LBB2_1:
0x12: {  	[tilespmem:s3], [sflag:$0x1] =	stream.linear.gather [hbm4b:s5+s3], $0x1400, $0x38;
	[tilespmem:$0x1C800] =	vst v63  }
0x13: {  	s31 =	simm.s32 $0x80;
	s1 =	simm.s32 $0x0  }
0x14: {  	[tilespmem:s10], [sflag:$0x2] =	stream.linear.gather [hbm4b:s6+s3], $0x1400, $0x38;
	[tilespmem:$0x1C800] =	vst v63  }
.LBB2_2:
0x15: {  	p0 =	sne.s32 s31, $0x13F80;
	[tilespmem:s1+$0x12800] =	vst v0;
	s20 =	smov.u32 s31;
	s31 =	sadd.s32 $0x80, s31  }
.Ltmp0:
0x16: {  	[tilespmem:s1+$0x12810] =	vst v0;
	(pc) =	sbr.rel @p0 .LBB2_2-.Ltmp0, $2  }
0x17: {  	_ =	sdelay $0x2  }
0x18: {  	s1 =	sshra.s32 s20, $0x2  }
0x19: {  	[tilespmem:s1+$0x12800] =	vst v0  }
0x1a: {  	[tilespmem:s1+$0x12810] =	vst v0  }
0x1b: {  	[spmem:s7] =	stream.linear.scatter [tilespmem:s11], [sflag:$0x9], $0x5000, $0x38;
	[tilespmem:$0x1C800] =	vst v63  }
0x1c: {  	_ =	swait.ge [sflag:s12], $0x5000  }
0x1d: {  	[sflag:s12] =	ssyncset.done $0x0  }
0x1e: {  	[sflag:s12] =	ssyncadd.s32 $0xFFFFB000  }
0x1f: {  	_ =	swait.ge [sflag:s13], $0x1400  }
0x20: {  	[sflag:s13] =	ssyncset.done $0x0  }
0x21: {  	[sflag:s13] =	ssyncadd.s32 $0xFFFFEC00  }
0x22: {  	_ =	swait.ge [sflag:s14], $0x1400  }
0x23: {  	[sflag:s14] =	ssyncset.done $0x0  }
0x24: {  	[sflag:s14] =	ssyncadd.s32 $0xFFFFEC00  }
0x25: {  	[bflag:$0x0] =	sbarrier.arrive $0xFFFF  }
0x26: {  	[tilespmem:s16], [sflag:$0x1] =	stream.indirect.gather [hbm4b:s4+s15], $0x20, s3, s15, $0xb8;
	[tilespmem:$0x1C800] =	vst v63  }
0x27: {  	_ = 	snop  }
0x28: {  	[tilespmem:s17], [sflag:$0x2] =	stream.indirect.gather [hbm4b:s4+s15], $0x20, s15, s15, $0xb8;
	[tilespmem:$0x1C800] =	vst v63  }
0x29: {  	s20 =	simm.s32 $0x400  }
0x2a: {  	[tilespmem:s19], [sflag:$0x3] =	stream.indirect.gather [hbm4b:s4+s15], $0x20, s20, s15, $0xb8;
	[tilespmem:$0x1C800] =	vst v63  }
0x2b: {  	s31 =	simm.s32 $0x600  }
0x2c: {  	[tilespmem:s21], [sflag:$0x4] =	stream.indirect.gather [hbm4b:s4+s15], $0x20, s31, s15, $0xb8;
	[tilespmem:$0x1C800] =	vst v63  }
0x2d: {  	_ =	swait.ge [sflag:s13], $0x4000  }
0x2e: {  	[sflag:s13] =	ssyncset.done $0x0  }
0x2f: {  	[sflag:s13] =	ssyncadd.s32 $0xFFFFC000  }
0x30: {  	[spmem:s2] =	stream.indirect.scatter.add.f32 [tilespmem:s16], [sflag:$0x5], $0x20, s10, s15, $0xb8;
	[tilespmem:$0x1C800] =	vst v63  }
0x31: {  	_ =	swait.ge [sflag:s22], $0x4000  }
0x32: {  	[sflag:s22] =	ssyncset.done $0x0  }
0x33: {  	s20 =	simm.s32 $0x800;
	[sflag:s22] =	ssyncadd.s32 $0xFFFFC000  }
0x34: {  	[tilespmem:s16], [sflag:$0x1] =	stream.indirect.gather [hbm4b:s4+s15], $0x20, s20, s15, $0xb8;
	[tilespmem:$0x1C800] =	vst v63  }
0x35: {  	_ =	swait.ge [sflag:s14], $0x4000  }
0x36: {  	[sflag:s14] =	ssyncset.done $0x0  }
0x37: {  	s31 =	simm.s32 $0x1600;
	[sflag:s14] =	ssyncadd.s32 $0xFFFFC000  }
0x38: {  	[spmem:s2] =	stream.indirect.scatter.add.f32 [tilespmem:s17], [sflag:$0x6], $0x20, s31, s15, $0xb8;
	[tilespmem:$0x1C800] =	vst v63  }
0x39: {  	_ =	swait.ge [sflag:s25], $0x4000  }
0x3a: {  	[sflag:s25] =	ssyncset.done $0x0  }
0x3b: {  	s20 =	simm.s32 $0xA00;
	[sflag:s25] =	ssyncadd.s32 $0xFFFFC000  }
0x3c: {  	[tilespmem:s17], [sflag:$0x2] =	stream.indirect.gather [hbm4b:s4+s15], $0x20, s20, s15, $0xb8;
	[tilespmem:$0x1C800] =	vst v63  }
0x3d: {  	_ =	swait.ge [sflag:s28], $0x4000  }
0x3e: {  	[sflag:s28] =	ssyncset.done $0x0  }
0x3f: {  	s31 =	simm.s32 $0x1800;
	[sflag:s28] =	ssyncadd.s32 $0xFFFFC000  }
0x40: {  	[spmem:s2] =	stream.indirect.scatter.add.f32 [tilespmem:s19], [sflag:$0x7], $0x20, s31, s15, $0xb8;
	[tilespmem:$0x1C800] =	vst v63  }
0x41: {  	_ =	swait.ge [sflag:s30], $0x4000  }
0x42: {  	[sflag:s30] =	ssyncset.done $0x0  }
0x43: {  	s20 =	simm.s32 $0xC00;
	[sflag:s30] =	ssyncadd.s32 $0xFFFFC000  }
0x44: {  	[tilespmem:s19], [sflag:$0x3] =	stream.indirect.gather [hbm4b:s4+s15], $0x20, s20, s15, $0xb8;
	[tilespmem:$0x1C800] =	vst v63  }
0x45: {  	_ =	swait.ge [sflag:s0], $0x4000  }
0x46: {  	[sflag:s0] =	ssyncset.done $0x0  }
0x47: {  	s31 =	simm.s32 $0x1A00;
	[sflag:s0] =	ssyncadd.s32 $0xFFFFC000  }
0x48: {  	[spmem:s2] =	stream.indirect.scatter.add.f32 [tilespmem:s21], [sflag:$0x8], $0x20, s31, s15, $0xb8;
	[tilespmem:$0x1C800] =	vst v63  }
0x49: {  	_ =	swait.ge [sflag:s18], $0x4000  }
0x4a: {  	[sflag:s18] =	ssyncset.done $0x0  }
0x4b: {  	s20 =	simm.s32 $0xE00;
	[sflag:s18] =	ssyncadd.s32 $0xFFFFC000  }
0x4c: {  	[tilespmem:s21], [sflag:$0x4] =	stream.indirect.gather [hbm4b:s4+s15], $0x20, s20, s15, $0xb8;
	[tilespmem:$0x1C800] =	vst v63  }
0x4d: {  	_ =	swait.ge [sflag:s13], $0x4000  }
0x4e: {  	[sflag:s13] =	ssyncset.done $0x0  }
0x4f: {  	s31 =	simm.s32 $0x1C00;
	[sflag:s13] =	ssyncadd.s32 $0xFFFFC000  }
0x50: {  	[spmem:s2] =	stream.indirect.scatter.add.f32 [tilespmem:s16], [sflag:$0x5], $0x20, s31, s15, $0xb8;
	[tilespmem:$0x1C800] =	vst v63  }
0x51: {  	_ =	swait.ge [sflag:s22], $0x4000  }
0x52: {  	[sflag:s22] =	ssyncset.done $0x0  }
0x53: {  	s20 =	simm.s32 $0x1000;
	[sflag:s22] =	ssyncadd.s32 $0xFFFFC000  }
0x54: {  	[tilespmem:s16], [sflag:$0x1] =	stream.indirect.gather [hbm4b:s4+s15], $0x20, s20, s15, $0xb8;
	[tilespmem:$0x1C800] =	vst v63  }
0x55: {  	_ =	swait.ge [sflag:s14], $0x4000  }
0x56: {  	[sflag:s14] =	ssyncset.done $0x0  }
0x57: {  	s31 =	simm.s32 $0x1E00;
	[sflag:s14] =	ssyncadd.s32 $0xFFFFC000  }
0x58: {  	[spmem:s2] =	stream.indirect.scatter.add.f32 [tilespmem:s17], [sflag:$0x6], $0x20, s31, s15, $0xb8;
	[tilespmem:$0x1C800] =	vst v63  }
0x59: {  	_ =	swait.ge [sflag:s25], $0x4000  }
0x5a: {  	[sflag:s25] =	ssyncset.done $0x0  }
0x5b: {  	s20 =	simm.s32 $0x1200;
	[sflag:s25] =	ssyncadd.s32 $0xFFFFC000  }
0x5c: {  	[tilespmem:s17], [sflag:$0x2] =	stream.indirect.gather [hbm4b:s4+s15], $0x20, s20, s15, $0xb8;
	[tilespmem:$0x1C800] =	vst v63  }
0x5d: {  	_ =	swait.ge [sflag:s28], $0x4000  }
0x5e: {  	[sflag:s28] =	ssyncset.done $0x0  }
0x5f: {  	s31 =	simm.s32 $0x2000;
	[sflag:s28] =	ssyncadd.s32 $0xFFFFC000  }
0x60: {  	[spmem:s2] =	stream.indirect.scatter.add.f32 [tilespmem:s19], [sflag:$0x7], $0x20, s31, s15, $0xb8;
	[tilespmem:$0x1C800] =	vst v63  }
0x61: {  	_ =	swait.ge [sflag:s0], $0x4000  }
0x62: {  	[sflag:s0] =	ssyncset.done $0x0  }
0x63: {  	s20 =	simm.s32 $0x2200;
	[sflag:s0] =	ssyncadd.s32 $0xFFFFC000  }
0x64: {  	[spmem:s2] =	stream.indirect.scatter.add.f32 [tilespmem:s21], [sflag:$0x8], $0x20, s20, s15, $0xb8;
	[tilespmem:$0x1C800] =	vst v63  }
0x65: {  	_ =	swait.ge [sflag:s13], $0x4000  }
0x66: {  	[sflag:s13] =	ssyncset.done $0x0  }
0x67: {  	s31 =	simm.s32 $0x2400;
	[sflag:s13] =	ssyncadd.s32 $0xFFFFC000  }
0x68: {  	[spmem:s2] =	stream.indirect.scatter.add.f32 [tilespmem:s16], [sflag:$0x5], $0x20, s31, s15, $0xb8;
	[tilespmem:$0x1C800] =	vst v63  }
0x69: {  	_ =	swait.ge [sflag:s14], $0x4000  }
0x6a: {  	[sflag:s14] =	ssyncset.done $0x0  }
0x6b: {  	[sflag:s14] =	ssyncadd.s32 $0xFFFFC000  }
0x6c: {  	[spmem:s2] =	stream.indirect.scatter.add.f32 [tilespmem:s17], [sflag:$0x6], $0x20, s23, s15, $0xb8;
	[tilespmem:$0x1C800] =	vst v63  }
0x6d: {  	_ =	swait.ge [sflag:s30], $0x4000  }
0x6e: {  	[sflag:s30] =	ssyncset.done $0x0  }
0x6f: {  	[sflag:s30] =	ssyncadd.s32 $0xFFFFC000  }
0x70: {  	_ =	swait.ge [sflag:s18], $0x4000  }
0x71: {  	[sflag:s18] =	ssyncset.done $0x0  }
0x72: {  	[sflag:s18] =	ssyncadd.s32 $0xFFFFC000  }
0x73: {  	_ =	swait.ge [sflag:s22], $0x4000  }
0x74: {  	[sflag:s22] =	ssyncset.done $0x0  }
0x75: {  	[sflag:s22] =	ssyncadd.s32 $0xFFFFC000  }
0x76: {  	_ =	swait.ge [sflag:s25], $0x4000  }
0x77: {  	[sflag:s25] =	ssyncset.done $0x0  }
0x78: {  	[sflag:s25] =	ssyncadd.s32 $0xFFFFC000  }
0x79: {  	[bflag:$0x0] =	sbarrier.arrive $0xFFFF  }
0x7a: {  	[tilespmem:s11], [sflag:$0x9] =	stream.linear.gather [spmem:s7], $0x5000, $0x38;
	[tilespmem:$0x1C800] =	vst v63  }
0x7b: {  	s29 =	sadd.s32 $0x1, s29;
	_ =	swait.ge [sflag:s12], $0x5000  }
0x7c: {  	p0 =	sne.s32 s29, s9;
	[sflag:s12] =	ssyncset.done $0x0  }
.Ltmp1:
0x7d: {  	[sflag:s12] =	ssyncadd.s32 $0xFFFFB000;
	(pc) =	sbr.rel @p0 .LBB2_1-.Ltmp1, $4  }
0x7e: {  	[hbm4b:s8+s24] =	stream.strided.scatter [tilespmem:s11], [sflag:$0x9], $0x5000, s26, s24, $0x38;
	[tilespmem:$0x1C800] =	vst v63  }
0x7f: {  	_ =	swait.ge [sflag:s12], $0x5000  }
0x80: {  	[sflag:s12] =	ssyncset.done $0x0  }
0x81: {  	[sflag:s12] =	ssyncadd.s32 $0xFFFFB000  }
0x82: {  	_ =	sfence.sel $0x180000  }
0x83: {  	[bflag:$0x0] =	sbarrier.arrive $0xFFFF  }
0x84: {  	_ =	strace $0x9000004A  }
0x85: {  	s0 =	stileid.u32;
	[bflag:$0x2] =	sbarrier.arrive $0xFFFF  }
0x86: {  	p0 =	sne.s32 s0, $0x0;
	s0 =	rddreg [dreg:$0x2]  }
0x87: {  	s0 =	sadd.s32 @!p0 $0x100000, s0  }
0x88: {  	[sflag:s0] =	ssyncadd.tile.s32 @!p0 $0x1;
	_ =	shalt  }
.Lfunc_end2:
_tile_overlayer_lowered:
.L_overlay_start_2:
0x89: {  	(tag) =	ssettag $0x2  }
0x8a: {  	s0 =	rddreg [dreg:$0x0];
	s2 =	stileid.u32  }
0x8b: {  	s1 =	rddreg [dreg:$0x1];
	p0 =	sne.s32 s2, $0x0  }
0x8c: {  	s3 =	rddreg [dreg:$0x2];
	[bflag:$0x3] =	sbarrier.arrive $0xFFFF;
	s2 =	simm.s32 @!p0 $0x1C09  }
0x8d: {  	[timem:s3], [sflag:s2] =	dma.local @!p0 [hbm:s0], s1  }
0x8e: {  	s0 =	simm.s32 @!p0 $0x9  }
0x8f: {  	_ =	swait.ge @!p0 [sflag:s0], s1  }
0x90: {  	s1 =	ssub.s32 @!p0 $0x0, s1;
	[sflag:s0] =	ssyncset.done @!p0 $0x0  }
0x91: {  	[sflag:s0] =	ssyncadd.s32 @!p0 s1  }
0x92: {  	[bflag:$0x3] =	sbarrier.arrive $0xFFFF  }
0x93: {  	_ =	shalt  }

// kernel: kernel.14.cloned.1.call-start
scs
__scs_entry_jumppad:
0x0: {  	(pc) =	sbr.rel $0x88, $3  }
0x1: {  	(tag) =	ssettag $0x0;
	lr =	simm.s32 $0x1  }
0x2: {  	[smem:$0x3F99] =	sst lr;
	_ =	strace $0xD0000000  }
0x3: {  	_ = 	snop  }
0x4: {  	_ = 	snop  }
0x5: {  	_ = 	snop  }
0x6: {  	_ = 	snop  }
0x7: {  	_ = 	snop  }
__scs_overlays_trampoline_lowered:
0x8: {  	[smem:$0x3FA8] =	sst s0  }
0x9: {  	[smem:$0x3FA9] =	sst s1  }
0xa: {  	[smem:$0x3FAA] =	sst s2  }
0xb: {  	[smem:$0x3FAB] =	sst s3  }
0xc: {  	[smem:$0x3FAC] =	sst s4  }
0xd: {  	[smem:$0x3FAD] =	sst s5  }
0xe: {  	[smem:$0x3FAE] =	sst s6  }
0xf: {  	[smem:$0x3FAF] =	sst s7  }
0x10: {  	[smem:$0x3FB0] =	sst s8  }
0x11: {  	[smem:$0x3FB1] =	sst s9;
	s0 =	simm.s32 @!p0 $0x0  }
0x12: {  	s1 =	sld [smem:$0x3F97];
	s0 =	simm.s32 @p0 $0x1  }
0x13: {  	[smem:$0x3FB2] =	sst s0;
	s0 =	simm.s32 @!p1 $0x0  }
0x14: {  	s2 =	sld [smem:$0x3F96];
	s0 =	simm.s32 @p1 $0x1  }
0x15: {  	[smem:$0x3FB3] =	sst s0;
	s0 =	simm.s32 @!p2 $0x0  }
0x16: {  	s3 =	sld [smem:$0x3FDB];
	s0 =	simm.s32 @p2 $0x1  }
0x17: {  	s4 =	simm.s32 $0x1BF5;
	[smem:$0x3FB5] =	sst s0  }
0x18: {  	s0 =	sld [smem:$0x3F98];
	_ =	swait.ge [sflag:s4], $0x0  }
0x19: {  	s7 =	sld [smem:$0x3F99]  }
0x1a: {  	s8 =	sadd.s32 $0xFFFFE003, lr  }
0x1b: {  	s9 =	sadd.s32 $0xFFFFFEF7, lr;
	s5 =	simm.s32 $0xFFFFFFFF;
	p2 =	slt.u32 s8, $0xFFFFF086  }
0x1c: {  	p1 =	slt.u32 s9, $0xF7A;
	s5 =	simm.s32 @!p2 $0x0  }
0x1d: {  	s5 =	simm.s32 @p1 $0x1;
	p0 =	seq.s32 s7, s2  }
0x1e: {  	s7 =	smul.u32 @!p0 $0xF7A, s2;
	p2 =	seq.s32 @!p0 s5, $0x0  }
0x1f: {  	s9 =	smul.u32 $0xF7A, s1;
	s8 =	simm.s32 @!p0 $0x1BF5;
	p2 =	por !p2, p0  }
0x20: {  	[sflag:s8] =	ssyncset.s32 @!p0 $0xFFFFF086;
	s6 =	sadd.s32 @!p0 s3, s7;
	s7 =	simm.s32 @!p0 $0x108  }
0x21: {  	s3 =	sadd.s32 s3, s9;
	s6 =	sadd.s32 @!p0 $0x88, s6;
	s7 =	simm.s32 @p2 $0x1082  }
0x22: {  	[simem:s7], [sflag:s8] =	dma.local @!p0 [hbm:s6], $0xF7A  }
0x23: {  	s9 =	sor.u32 $0xD0000000, s2;
	s6 =	simm.s32 $0x108;
	_ =	swait.ge @!p0 [sflag:s8], $0x0  }
0x24: {  	s3 =	sadd.s32 $0x88, s3;
	s6 =	simm.s32 @!p1 $0x1082;
	[sflag:s4] =	ssyncset.s32 $0xFFFFF086  }
0x25: {  	[simem:s6], [sflag:s4] =	dma.local [hbm:s3], $0xF7A  }
0x26: {  	[smem:$0x3F99] =	sst s1;
	(tag) =	ssettag s2;
	_ =	strace s9  }
0x27: {  	s1 =	sld [smem:$0x3FA9]  }
0x28: {  	s2 =	sld [smem:$0x3FAA]  }
0x29: {  	s4 =	sld [smem:$0x3FAC]  }
0x2a: {  	p0 =	seq.s32 s5, $0x0;
	s5 =	sld [smem:$0x3FAD]  }
0x2b: {  	s6 =	sld [smem:$0x3FAE]  }
0x2c: {  	s7 =	sld [smem:$0x3FAF]  }
0x2d: {  	s3 =	simm.s32 $0x108;
	s8 =	sld [smem:$0x3FB0]  }
0x2e: {  	s3 =	simm.s32 @!p0 $0x1082;
	s9 =	sld [smem:$0x3FB1]  }
0x2f: {  	lr =	sadd.s32 s0, s3;
	s0 =	sld [smem:$0x3FA8]  }
0x30: {  	s3 =	sld [smem:$0x3FAB]  }
0x31: {  	[smem:$0x3FB4] =	sst s10  }
0x32: {  	s10 =	sld [smem:$0x3FB2];
	_ =	sdelay $0x3  }
0x33: {  	p0 =	seq.s32 s10, $0x1;
	s10 =	sld [smem:$0x3FB4];
	_ =	sdelay $0x3  }
0x34: {  	[smem:$0x3FB4] =	sst s10  }
0x35: {  	s10 =	sld [smem:$0x3FB3];
	_ =	sdelay $0x3  }
0x36: {  	p1 =	seq.s32 s10, $0x1;
	s10 =	sld [smem:$0x3FB4];
	_ =	sdelay $0x3  }
0x37: {  	[smem:$0x3FB4] =	sst s10  }
0x38: {  	s10 =	sld [smem:$0x3FB5]  }
0x39: {  	_ = 	snop;
	(pc) =	sbr.ind lr, $3  }
0x3a: {  	_ = 	snop  }
0x3b: {  	_ = 	snop  }
0x3c: {  	p2 =	seq.s32 s10, $0x1;
	s10 =	sld [smem:$0x3FB4]  }
0x3d: {  	_ =	shalt  }
0x3e: {  	_ =	shalt  }
0x3f: {  	_ =	shalt  }
0x40: {  	_ =	shalt  }
0x41: {  	_ =	shalt  }
0x42: {  	_ =	shalt  }
0x43: {  	_ =	shalt  }
0x44: {  	_ =	shalt  }
0x45: {  	_ =	shalt  }
0x46: {  	_ =	shalt  }
0x47: {  	_ =	shalt  }
0x48: {  	_ =	shalt  }
0x49: {  	_ =	shalt  }
0x4a: {  	_ =	shalt  }
0x4b: {  	_ =	shalt  }
0x4c: {  	_ =	shalt  }
0x4d: {  	_ =	shalt  }
0x4e: {  	_ =	shalt  }
0x4f: {  	_ =	shalt  }
0x50: {  	_ =	shalt  }
0x51: {  	_ =	shalt  }
0x52: {  	_ =	shalt  }
0x53: {  	_ =	shalt  }
0x54: {  	_ =	shalt  }
0x55: {  	_ =	shalt  }
0x56: {  	_ =	shalt  }
0x57: {  	_ =	shalt  }
0x58: {  	_ =	shalt  }
0x59: {  	_ =	shalt  }
0x5a: {  	_ =	shalt  }
0x5b: {  	_ =	shalt  }
0x5c: {  	_ =	shalt  }
0x5d: {  	_ =	shalt  }
0x5e: {  	_ =	shalt  }
0x5f: {  	_ =	shalt  }
0x60: {  	_ =	shalt  }
0x61: {  	_ =	shalt  }
0x62: {  	_ =	shalt  }
0x63: {  	_ =	shalt  }
0x64: {  	_ =	shalt  }
0x65: {  	_ =	shalt  }
0x66: {  	_ =	shalt  }
0x67: {  	_ =	shalt  }
0x68: {  	_ =	shalt  }
0x69: {  	_ =	shalt  }
0x6a: {  	_ =	shalt  }
0x6b: {  	_ =	shalt  }
0x6c: {  	_ =	shalt  }
0x6d: {  	_ =	shalt  }
0x6e: {  	_ =	shalt  }
0x6f: {  	_ =	shalt  }
0x70: {  	_ =	shalt  }
0x71: {  	_ =	shalt  }
0x72: {  	_ =	shalt  }
0x73: {  	_ =	shalt  }
0x74: {  	_ =	shalt  }
0x75: {  	_ =	shalt  }
0x76: {  	_ =	shalt  }
0x77: {  	_ =	shalt  }
0x78: {  	_ =	shalt  }
0x79: {  	_ =	shalt  }
0x7a: {  	_ =	shalt  }
0x7b: {  	_ =	shalt  }
0x7c: {  	_ =	shalt  }
0x7d: {  	_ =	shalt  }
0x7e: {  	_ =	shalt  }
0x7f: {  	_ =	shalt  }
0x80: {  	_ =	shalt  }
0x81: {  	_ =	shalt  }
0x82: {  	_ =	shalt  }
0x83: {  	_ =	shalt  }
0x84: {  	_ =	shalt  }
0x85: {  	_ =	shalt  }
0x86: {  	_ =	shalt  }
0x87: {  	_ =	shalt  }
.Lfunc_end0:
.L_simem_size_0:
called_computation.2_lowered:
.L_overlay_start_0:
0x88: {  	s2 =	sld [smem:$0x3FD9]  }
0x89: {  	s3 =	sld [smem:$0x3FFE];
	_ =	sdelay $0x1  }
0x8a: {  	s1 =	srdreg.scid  }
0x8b: {  	s0 =	sand.u32 $0x1, s1  }
0x8c: {  	s17 =	sshll.u32 s0, $0xA;
	s2 =	sadd.s32 s3, s2  }
0x8d: {  	s2 =	sadd.s32 s2, s17  }
0x8e: {  	[smem:$0x3FC0] =	sst s2  }
0x8f: {  	_ = 	snop  }
0x90: {  	s2 =	sld [smem:$0x3FD0];
	(tm) =	ssettm $0x1  }
0x91: {  	s18 =	sld [smem:$0x3FFB];
	_ =	sdelay $0x3  }
0x92: {  	_ =	strace s18  }
0x93: {  	s3 =	sld [smem:$0x3FFC];
	_ =	sdelay $0x3  }
0x94: {  	_ =	strace s3  }
0x95: {  	s3 =	sld [smem:$0x3FFD];
	_ =	sdelay $0x3  }
0x96: {  	_ =	strace s3  }
0x97: {  	_ =	strace $0x8FFFFFFF  }
0x98: {  	s19 =	sld [smem:$0x3FDB];
	_ =	sdelay $0x1  }
0x99: {  	s4 =	simm.s32 $_scs_section_size  }
0x9a: {  	s5 =	simm.s32 $_size__tile_overlayer_lowered;
	s6 =	simm.s32 $_tile_overlayer_lowered  }
0x9b: {  	s22 =	simm.s32 $0x1BFF;
	s21 =	sshll.u32 s6, $0x1;
	s3 =	sadd.s32 s4, s19  }
0x9c: {  	s7 =	simm.s32 $0x0;
	s20 =	sshll.u32 s5, $0x1;
	s5 =	sadd.s32 s21, s3  }
0x9d: {  	[timem:s7], [sflag:s22] =	dma.local [hbm:s5], s20  }
0x9e: {  	_ =	swait.ge [sflag:s22], s20  }
0x9f: {  	s4 =	ssub.s32 $0x0, s20;
	[sflag:s22] =	ssyncset.done $0x0  }
0xa0: {  	[sflag:s22] =	ssyncadd.s32 s4;
	_ =	sdelay $0x1  }
0xa1: {  	s23 =	simm.s32 $0x1B8B  }
0xa2: {  	_ =	swait.ge [sflag:s23], $0x1  }
0xa3: {  	[sflag:s23] =	ssyncset.done $0x0  }
0xa4: {  	s25 =	simm.s32 $0x1B8E;
	s24 =	sld [smem:$0x3FFE];
	[sflag:s23] =	ssyncadd.s32 $0xFFFFFFFF  }
0xa5: {  	s26 =	simm.s32 $execute0_lowered;
	[smem:$0x3FD2] =	sst s25  }
0xa6: {  	s5 =	sshll.u32 s26, $0x1;
	_ =	strace $0x8000004C;
	[dreg:$0x1] =	wrdreg $0xFFFFFFFF  }
0xa7: {  	s28 =	simm.s32 $_size_execute0_lowered;
	s3 =	sadd.s32 s3, s5;
	[dreg:$0x0] =	wrdreg $0x0  }
0xa8: {  	s5 =	sshll.u32 s28, $0x1;
	[dreg:$0x2] =	wrdreg s3  }
0xa9: {  	[dreg:$0x3] =	wrdreg s5  }
0xaa: {  	[dreg:$0x4] =	wrdreg $0xC0  }
0xab: {  	_ =	task [dreg:s7], $0x5FFFF  }
0xac: {  	[dreg:$0x1] =	wrdreg $0xFFFFFFFF  }
0xad: {  	[dreg:$0x0] =	wrdreg $0x60  }
0xae: {  	[dreg:$0x2] =	wrdreg s2  }
0xaf: {  	[dreg:$0x3] =	wrdreg s24  }
0xb0: {  	[dreg:$0x4] =	wrdreg $0xD0000  }
0xb1: {  	[dreg:$0x5] =	wrdreg $0x9  }
0xb2: {  	_ =	task.clear_ibuf [dreg:s7], $0x6FFFF;
	_ =	strace $0x9000004C  }
0xb3: {  	s29 =	simm.s32 $0x9;
	_ =	strace $0x8000004E  }
0xb4: {  	_ =	swait.ge [sflag:s29], $0x1  }
0xb5: {  	[sflag:s29] =	ssyncadd.s32 $0xFFFFFFFF  }
0xb6: {  	_ =	strace $0x9000004E  }
0xb7: {  	_ =	sfence  }
0xb8: {  	s30 =	sld [smem:$0x0];
	_ =	sdelay $0x2  }
0xb9: {  	s31 =	sshll.u32 s1, $0xD;
	s1 =	sshrl.u32 s1, $0x2  }
0xba: {  	s3 =	sand.u32 $0x4000, s31;
	s1 =	sadd.s32 s1, s30  }
0xbb: {  	s0 =	sor.u32 s3, s0;
	s1 =	sshll.u32 s1, $0x11  }
0xbc: {  	s0 =	sor.u32 s1, s0  }
0xbd: {  	s0 =	sadd.s32 $0x8F2B, s0  }
0xbe: {  	[sflag:s0] =	ssyncadd.remote.s32 $0x1  }
0xbf: {  	_ =	sfence.sel $0xFFFF  }
0xc0: {  	[dreg:$0x0] =	wrdreg $0xFFFFFFFF;
	(pc) =	sbr.abs _section_cstart, $3  }
0xc1: {  	[dreg:$0x1] =	wrdreg $0xFFFFFFFF  }
0xc2: {  	_ =	task.clear_ibuf [dreg:s7], $0x2FFFF;
	_ =	strace $0x9FFFFFFF  }
0xc3: {  	(tm) =	ssettm $0x7FFFFFFF  }
tec
execute0_lowered:
.L_overlay_start_1:
0x0: {  	(tag) =	ssettag $0x1  }
0x1: {  	s1 =	rddreg [dreg:$0x0]  }
0x2: {  	s0 =	rddreg [dreg:$0x1]  }
0x3: {  	s3 =	rddreg [dreg:$0x2]  }
0x4: {  	s2 =	srdreg.scid;
	s4 =	simm.s32 $0x0;
	s8 =	stileid.u32  }
0x5: {  	s10 =	simm.s32 $0x1400;
	s11 =	simm.s32 $0xA800;
	s12 =	simm.s32 $0x9  }
0x6: {  	s13 =	simm.s32 $0x1;
	s14 =	simm.s32 $0x2;
	s15 =	simm.s32 $0x200  }
0x7: {  	s16 =	simm.s32 $0x2800;
	s17 =	simm.s32 $0x4800;
	s19 =	simm.s32 $0x6800  }
0x8: {  	s21 =	simm.s32 $0x8800;
	s22 =	simm.s32 $0x5;
	s25 =	simm.s32 $0x6  }
0x9: {  	s28 =	simm.s32 $0x3;
	s30 =	simm.s32 $0x7;
	s18 =	simm.s32 $0x8  }
0xa: {  	s20 =	simm.s32 $0x2400;
	s23 =	simm.s32 $0x2600;
	s24 =	simm.s32 $0x10  }
0xb: {  	s29 =	simm.s32 $0x0;
	s2 =	sand.u32 $0x1, s2;
	[smem:$0x7FF] =	sst s4  }
0xc: {  	s6 =	smul.u32 $0x14000, s8;
	s5 =	sshll.u32 s2, $0x4;
	_ =	strace $0x8000004D  }
0xd: {  	s2 =	ssub.s32 $0x2, s2;
	s7 =	sor.u32 s8, s5;
	s8 =	smul.u32 $0xA000, s8  }
0xe: {  	s5 =	sor.u32 s5, s6;
	s26 =	sshrl.u32 s2, $0x1;
	s7 =	smul.u32 $0x280, s7  }
0xf: {  	s5 =	sshrl.u32 s5, $0x3;
	s2 =	ssub.s32 s2, s26;
	s26 =	simm.s32 $0x80  }
0x10: {  	s31 =	sshrl.u32 s8, $0x2;
	s9 =	smax.u32 s2, $0x1;
	s7 =	sadd.s32 s7, s0  }
0x11: {  	s0 =	sadd.s32 s5, s0;
	s5 =	sadd.s32 $0x16E00, s7;
	s6 =	sadd.s32 $0x1BE00, s7  }
0x12: {  	v0 =	vimm.f32 $0.0e+00;
	s7 =	sadd.s32 s31, s3;
	s8 =	sadd.s32 $0x48E00, s0;
	s0 =	simm.s32 $0x4  }
.LBB2_1:
0x13: {  	[tilespmem:s4], [sflag:$0x1] =	stream.linear.gather [hbm4b:s5+s4], $0x1400, $0x38;
	[tilespmem:$0xF800] =	vst v63  }
0x14: {  	s31 =	simm.s32 $0x40;
	s2 =	simm.s32 $0x0  }
0x15: {  	[tilespmem:s10], [sflag:$0x2] =	stream.linear.gather [hbm4b:s6+s4], $0x1400, $0x38;
	[tilespmem:$0xF800] =	vst v63  }
.LBB2_2:
0x16: {  	p0 =	sne.s32 s31, $0x9FC0;
	[tilespmem:s2+$0xA800] =	vst v0;
	s2 =	smov.u32 s31;
	s31 =	sadd.s32 $0x40, s31  }
.Ltmp0:
0x17: {  	(pc) =	sbr.rel @p0 .LBB2_2-.Ltmp0, $2  }
0x18: {  	_ =	sdelay $0x2  }
0x19: {  	s2 =	sshra.s32 s2, $0x2  }
0x1a: {  	[tilespmem:s2+$0xA800] =	vst v0  }
0x1b: {  	[spmem:s7] =	stream.linear.scatter [tilespmem:s11], [sflag:$0x9], $0x2800, $0x38;
	[tilespmem:$0xF800] =	vst v63  }
0x1c: {  	_ =	swait.ge [sflag:s12], $0x2800  }
0x1d: {  	[sflag:s12] =	ssyncset.done $0x0  }
0x1e: {  	[sflag:s12] =	ssyncadd.s32 $0xFFFFD800  }
0x1f: {  	_ =	swait.ge [sflag:s13], $0x1400  }
0x20: {  	[sflag:s13] =	ssyncset.done $0x0  }
0x21: {  	[sflag:s13] =	ssyncadd.s32 $0xFFFFEC00  }
0x22: {  	_ =	swait.ge [sflag:s14], $0x1400  }
0x23: {  	[sflag:s14] =	ssyncset.done $0x0  }
0x24: {  	[sflag:s14] =	ssyncadd.s32 $0xFFFFEC00  }
0x25: {  	[bflag:$0x0] =	sbarrier.arrive $0xFFFF  }
0x26: {  	[tilespmem:s16], [sflag:$0x1] =	stream.indirect.gather [hbm4b:s1+s15], $0x10, s4, s15, $0xb8;
	[tilespmem:$0xF800] =	vst v63  }
0x27: {  	_ = 	snop  }
0x28: {  	[tilespmem:s17], [sflag:$0x2] =	stream.indirect.gather [hbm4b:s1+s15], $0x10, s15, s15, $0xb8;
	[tilespmem:$0xF800] =	vst v63  }
0x29: {  	s31 =	simm.s32 $0x400  }
0x2a: {  	[tilespmem:s19], [sflag:$0x3] =	stream.indirect.gather [hbm4b:s1+s15], $0x10, s31, s15, $0xb8;
	[tilespmem:$0xF800] =	vst v63  }
0x2b: {  	s31 =	simm.s32 $0x600  }
0x2c: {  	[tilespmem:s21], [sflag:$0x4] =	stream.indirect.gather [hbm4b:s1+s15], $0x10, s31, s15, $0xb8;
	[tilespmem:$0xF800] =	vst v63  }
0x2d: {  	_ =	swait.ge [sflag:s13], $0x2000  }
0x2e: {  	[sflag:s13] =	ssyncset.done $0x0  }
0x2f: {  	[sflag:s13] =	ssyncadd.s32 $0xFFFFE000  }
0x30: {  	[spmem:s3] =	stream.indirect.scatter.add.f32 [tilespmem:s16], [sflag:$0x5], $0x10, s10, s15, $0xb8;
	[tilespmem:$0xF800] =	vst v63  }
0x31: {  	_ =	swait.ge [sflag:s22], $0x2000  }
0x32: {  	[sflag:s22] =	ssyncset.done $0x0  }
0x33: {  	s31 =	simm.s32 $0x800;
	[sflag:s22] =	ssyncadd.s32 $0xFFFFE000  }
0x34: {  	[tilespmem:s16], [sflag:$0x1] =	stream.indirect.gather [hbm4b:s1+s15], $0x10, s31, s15, $0xb8;
	[tilespmem:$0xF800] =	vst v63  }
0x35: {  	_ =	swait.ge [sflag:s14], $0x2000  }
0x36: {  	[sflag:s14] =	ssyncset.done $0x0  }
0x37: {  	s31 =	simm.s32 $0x1600;
	[sflag:s14] =	ssyncadd.s32 $0xFFFFE000  }
0x38: {  	[spmem:s3] =	stream.indirect.scatter.add.f32 [tilespmem:s17], [sflag:$0x6], $0x10, s31, s15, $0xb8;
	[tilespmem:$0xF800] =	vst v63  }
0x39: {  	_ =	swait.ge [sflag:s25], $0x2000  }
0x3a: {  	[sflag:s25] =	ssyncset.done $0x0  }
0x3b: {  	s31 =	simm.s32 $0xA00;
	[sflag:s25] =	ssyncadd.s32 $0xFFFFE000  }
0x3c: {  	[tilespmem:s17], [sflag:$0x2] =	stream.indirect.gather [hbm4b:s1+s15], $0x10, s31, s15, $0xb8;
	[tilespmem:$0xF800] =	vst v63  }
0x3d: {  	_ =	swait.ge [sflag:s28], $0x2000  }
0x3e: {  	[sflag:s28] =	ssyncset.done $0x0  }
0x3f: {  	s31 =	simm.s32 $0x1800;
	[sflag:s28] =	ssyncadd.s32 $0xFFFFE000  }
0x40: {  	[spmem:s3] =	stream.indirect.scatter.add.f32 [tilespmem:s19], [sflag:$0x7], $0x10, s31, s15, $0xb8;
	[tilespmem:$0xF800] =	vst v63  }
0x41: {  	_ =	swait.ge [sflag:s30], $0x2000  }
0x42: {  	[sflag:s30] =	ssyncset.done $0x0  }
0x43: {  	s31 =	simm.s32 $0xC00;
	[sflag:s30] =	ssyncadd.s32 $0xFFFFE000  }
0x44: {  	[tilespmem:s19], [sflag:$0x3] =	stream.indirect.gather [hbm4b:s1+s15], $0x10, s31, s15, $0xb8;
	[tilespmem:$0xF800] =	vst v63  }
0x45: {  	_ =	swait.ge [sflag:s0], $0x2000  }
0x46: {  	[sflag:s0] =	ssyncset.done $0x0  }
0x47: {  	s31 =	simm.s32 $0x1A00;
	[sflag:s0] =	ssyncadd.s32 $0xFFFFE000  }
0x48: {  	[spmem:s3] =	stream.indirect.scatter.add.f32 [tilespmem:s21], [sflag:$0x8], $0x10, s31, s15, $0xb8;
	[tilespmem:$0xF800] =	vst v63  }
0x49: {  	_ =	swait.ge [sflag:s18], $0x2000  }
0x4a: {  	[sflag:s18] =	ssyncset.done $0x0  }
0x4b: {  	s31 =	simm.s32 $0xE00;
	[sflag:s18] =	ssyncadd.s32 $0xFFFFE000  }
0x4c: {  	[tilespmem:s21], [sflag:$0x4] =	stream.indirect.gather [hbm4b:s1+s15], $0x10, s31, s15, $0xb8;
	[tilespmem:$0xF800] =	vst v63  }
0x4d: {  	_ =	swait.ge [sflag:s13], $0x2000  }
0x4e: {  	[sflag:s13] =	ssyncset.done $0x0  }
0x4f: {  	s31 =	simm.s32 $0x1C00;
	[sflag:s13] =	ssyncadd.s32 $0xFFFFE000  }
0x50: {  	[spmem:s3] =	stream.indirect.scatter.add.f32 [tilespmem:s16], [sflag:$0x5], $0x10, s31, s15, $0xb8;
	[tilespmem:$0xF800] =	vst v63  }
0x51: {  	_ =	swait.ge [sflag:s22], $0x2000  }
0x52: {  	[sflag:s22] =	ssyncset.done $0x0  }
0x53: {  	s31 =	simm.s32 $0x1000;
	[sflag:s22] =	ssyncadd.s32 $0xFFFFE000  }
0x54: {  	[tilespmem:s16], [sflag:$0x1] =	stream.indirect.gather [hbm4b:s1+s15], $0x10, s31, s15, $0xb8;
	[tilespmem:$0xF800] =	vst v63  }
0x55: {  	_ =	swait.ge [sflag:s14], $0x2000  }
0x56: {  	[sflag:s14] =	ssyncset.done $0x0  }
0x57: {  	s31 =	simm.s32 $0x1E00;
	[sflag:s14] =	ssyncadd.s32 $0xFFFFE000  }
0x58: {  	[spmem:s3] =	stream.indirect.scatter.add.f32 [tilespmem:s17], [sflag:$0x6], $0x10, s31, s15, $0xb8;
	[tilespmem:$0xF800] =	vst v63  }
0x59: {  	_ =	swait.ge [sflag:s25], $0x2000  }
0x5a: {  	[sflag:s25] =	ssyncset.done $0x0  }
0x5b: {  	s31 =	simm.s32 $0x1200;
	[sflag:s25] =	ssyncadd.s32 $0xFFFFE000  }
0x5c: {  	[tilespmem:s17], [sflag:$0x2] =	stream.indirect.gather [hbm4b:s1+s15], $0x10, s31, s15, $0xb8;
	[tilespmem:$0xF800] =	vst v63  }
0x5d: {  	_ =	swait.ge [sflag:s28], $0x2000  }
0x5e: {  	[sflag:s28] =	ssyncset.done $0x0  }
0x5f: {  	s31 =	simm.s32 $0x2000;
	[sflag:s28] =	ssyncadd.s32 $0xFFFFE000  }
0x60: {  	[spmem:s3] =	stream.indirect.scatter.add.f32 [tilespmem:s19], [sflag:$0x7], $0x10, s31, s15, $0xb8;
	[tilespmem:$0xF800] =	vst v63  }
0x61: {  	_ =	swait.ge [sflag:s0], $0x2000  }
0x62: {  	[sflag:s0] =	ssyncset.done $0x0  }
0x63: {  	s31 =	simm.s32 $0x2200;
	[sflag:s0] =	ssyncadd.s32 $0xFFFFE000  }
0x64: {  	[spmem:s3] =	stream.indirect.scatter.add.f32 [tilespmem:s21], [sflag:$0x8], $0x10, s31, s15, $0xb8;
	[tilespmem:$0xF800] =	vst v63  }
0x65: {  	_ =	swait.ge [sflag:s13], $0x2000  }
0x66: {  	[sflag:s13] =	ssyncset.done $0x0  }
0x67: {  	[sflag:s13] =	ssyncadd.s32 $0xFFFFE000  }
0x68: {  	[spmem:s3] =	stream.indirect.scatter.add.f32 [tilespmem:s16], [sflag:$0x5], $0x10, s20, s15, $0xb8;
	[tilespmem:$0xF800] =	vst v63  }
0x69: {  	_ =	swait.ge [sflag:s14], $0x2000  }
0x6a: {  	[sflag:s14] =	ssyncset.done $0x0  }
0x6b: {  	[sflag:s14] =	ssyncadd.s32 $0xFFFFE000  }
0x6c: {  	[spmem:s3] =	stream.indirect.scatter.add.f32 [tilespmem:s17], [sflag:$0x6], $0x10, s23, s15, $0xb8;
	[tilespmem:$0xF800] =	vst v63  }
0x6d: {  	_ =	swait.ge [sflag:s30], $0x2000  }
0x6e: {  	[sflag:s30] =	ssyncset.done $0x0  }
0x6f: {  	[sflag:s30] =	ssyncadd.s32 $0xFFFFE000  }
0x70: {  	_ =	swait.ge [sflag:s18], $0x2000  }
0x71: {  	[sflag:s18] =	ssyncset.done $0x0  }
0x72: {  	[sflag:s18] =	ssyncadd.s32 $0xFFFFE000  }
0x73: {  	_ =	swait.ge [sflag:s22], $0x2000  }
0x74: {  	[sflag:s22] =	ssyncset.done $0x0  }
0x75: {  	[sflag:s22] =	ssyncadd.s32 $0xFFFFE000  }
0x76: {  	_ =	swait.ge [sflag:s25], $0x2000  }
0x77: {  	[sflag:s25] =	ssyncset.done $0x0  }
0x78: {  	[sflag:s25] =	ssyncadd.s32 $0xFFFFE000  }
0x79: {  	[bflag:$0x0] =	sbarrier.arrive $0xFFFF  }
0x7a: {  	[tilespmem:s11], [sflag:$0x9] =	stream.linear.gather [spmem:s7], $0x2800, $0x38;
	[tilespmem:$0xF800] =	vst v63  }
0x7b: {  	s29 =	sadd.s32 $0x1, s29;
	_ =	swait.ge [sflag:s12], $0x2800  }
0x7c: {  	p0 =	sne.s32 s29, s9;
	[sflag:s12] =	ssyncset.done $0x0  }
.Ltmp1:
0x7d: {  	[sflag:s12] =	ssyncadd.s32 $0xFFFFD800;
	(pc) =	sbr.rel @p0 .LBB2_1-.Ltmp1, $4  }
0x7e: {  	[hbm4b:s8+s24] =	stream.strided.scatter [tilespmem:s11], [sflag:$0x9], $0x2800, s26, s24, $0x38;
	[tilespmem:$0xF800] =	vst v63  }
0x7f: {  	_ =	swait.ge [sflag:s12], $0x2800  }
0x80: {  	[sflag:s12] =	ssyncset.done $0x0  }
0x81: {  	[sflag:s12] =	ssyncadd.s32 $0xFFFFD800  }
0x82: {  	_ =	sfence.sel $0x180000  }
0x83: {  	[bflag:$0x0] =	sbarrier.arrive $0xFFFF  }
0x84: {  	_ =	strace $0x9000004D  }
0x85: {  	s0 =	stileid.u32;
	[bflag:$0x2] =	sbarrier.arrive $0xFFFF  }
0x86: {  	p0 =	sne.s32 s0, $0x0;
	s0 =	rddreg [dreg:$0x3]  }
0x87: {  	s0 =	sadd.s32 @!p0 $0x100000, s0  }
0x88: {  	[sflag:s0] =	ssyncadd.tile.s32 @!p0 $0x1;
	_ =	shalt  }
.Lfunc_end2:
_tile_overlayer_lowered:
.L_overlay_start_2:
0x89: {  	(tag) =	ssettag $0x2  }
0x8a: {  	s0 =	rddreg [dreg:$0x0];
	s2 =	stileid.u32  }
0x8b: {  	s1 =	rddreg [dreg:$0x1];
	p0 =	sne.s32 s2, $0x0  }
0x8c: {  	s3 =	rddreg [dreg:$0x2];
	[bflag:$0x3] =	sbarrier.arrive $0xFFFF;
	s2 =	simm.s32 @!p0 $0x1C09  }
0x8d: {  	[timem:s3], [sflag:s2] =	dma.local @!p0 [hbm:s0], s1  }
0x8e: {  	s0 =	simm.s32 @!p0 $0x9  }
0x8f: {  	_ =	swait.ge @!p0 [sflag:s0], s1  }
0x90: {  	s1 =	ssub.s32 @!p0 $0x0, s1;
	[sflag:s0] =	ssyncset.done @!p0 $0x0  }
0x91: {  	[sflag:s0] =	ssyncadd.s32 @!p0 s1  }
0x92: {  	[bflag:$0x3] =	sbarrier.arrive $0xFFFF  }
0x93: {  	_ =	shalt  }

// kernel: kernel.8.cloned.1.call-start
scs
__scs_entry_jumppad:
0x0: {  	(pc) =	sbr.rel $0x88, $3  }
0x1: {  	(tag) =	ssettag $0x0;
	lr =	simm.s32 $0x1  }
0x2: {  	[smem:$0x3F99] =	sst lr;
	_ =	strace $0xD0000000  }
0x3: {  	_ = 	snop  }
0x4: {  	_ = 	snop  }
0x5: {  	_ = 	snop  }
0x6: {  	_ = 	snop  }
0x7: {  	_ = 	snop  }
__scs_overlays_trampoline_lowered:
0x8: {  	[smem:$0x3FA8] =	sst s0  }
0x9: {  	[smem:$0x3FA9] =	sst s1  }
0xa: {  	[smem:$0x3FAA] =	sst s2  }
0xb: {  	[smem:$0x3FAB] =	sst s3  }
0xc: {  	[smem:$0x3FAC] =	sst s4  }
0xd: {  	[smem:$0x3FAD] =	sst s5  }
0xe: {  	[smem:$0x3FAE] =	sst s6  }
0xf: {  	[smem:$0x3FAF] =	sst s7  }
0x10: {  	[smem:$0x3FB0] =	sst s8  }
0x11: {  	[smem:$0x3FB1] =	sst s9;
	s0 =	simm.s32 @!p0 $0x0  }
0x12: {  	s1 =	sld [smem:$0x3F97];
	s0 =	simm.s32 @p0 $0x1  }
0x13: {  	[smem:$0x3FB2] =	sst s0;
	s0 =	simm.s32 @!p1 $0x0  }
0x14: {  	s2 =	sld [smem:$0x3F96];
	s0 =	simm.s32 @p1 $0x1  }
0x15: {  	[smem:$0x3FB3] =	sst s0;
	s0 =	simm.s32 @!p2 $0x0  }
0x16: {  	s3 =	sld [smem:$0x3FDB];
	s0 =	simm.s32 @p2 $0x1  }
0x17: {  	s4 =	simm.s32 $0x1BF5;
	[smem:$0x3FB5] =	sst s0  }
0x18: {  	s0 =	sld [smem:$0x3F98];
	_ =	swait.ge [sflag:s4], $0x0  }
0x19: {  	s7 =	sld [smem:$0x3F99]  }
0x1a: {  	s8 =	sadd.s32 $0xFFFFE003, lr  }
0x1b: {  	s9 =	sadd.s32 $0xFFFFFEF7, lr;
	s5 =	simm.s32 $0xFFFFFFFF;
	p2 =	slt.u32 s8, $0xFFFFF086  }
0x1c: {  	p1 =	slt.u32 s9, $0xF7A;
	s5 =	simm.s32 @!p2 $0x0  }
0x1d: {  	s5 =	simm.s32 @p1 $0x1;
	p0 =	seq.s32 s7, s2  }
0x1e: {  	s7 =	smul.u32 @!p0 $0xF7A, s2;
	p2 =	seq.s32 @!p0 s5, $0x0  }
0x1f: {  	s9 =	smul.u32 $0xF7A, s1;
	s8 =	simm.s32 @!p0 $0x1BF5;
	p2 =	por !p2, p0  }
0x20: {  	[sflag:s8] =	ssyncset.s32 @!p0 $0xFFFFF086;
	s6 =	sadd.s32 @!p0 s3, s7;
	s7 =	simm.s32 @!p0 $0x108  }
0x21: {  	s3 =	sadd.s32 s3, s9;
	s6 =	sadd.s32 @!p0 $0x88, s6;
	s7 =	simm.s32 @p2 $0x1082  }
0x22: {  	[simem:s7], [sflag:s8] =	dma.local @!p0 [hbm:s6], $0xF7A  }
0x23: {  	s9 =	sor.u32 $0xD0000000, s2;
	s6 =	simm.s32 $0x108;
	_ =	swait.ge @!p0 [sflag:s8], $0x0  }
0x24: {  	s3 =	sadd.s32 $0x88, s3;
	s6 =	simm.s32 @!p1 $0x1082;
	[sflag:s4] =	ssyncset.s32 $0xFFFFF086  }
0x25: {  	[simem:s6], [sflag:s4] =	dma.local [hbm:s3], $0xF7A  }
0x26: {  	[smem:$0x3F99] =	sst s1;
	(tag) =	ssettag s2;
	_ =	strace s9  }
0x27: {  	s1 =	sld [smem:$0x3FA9]  }
0x28: {  	s2 =	sld [smem:$0x3FAA]  }
0x29: {  	s4 =	sld [smem:$0x3FAC]  }
0x2a: {  	p0 =	seq.s32 s5, $0x0;
	s5 =	sld [smem:$0x3FAD]  }
0x2b: {  	s6 =	sld [smem:$0x3FAE]  }
0x2c: {  	s7 =	sld [smem:$0x3FAF]  }
0x2d: {  	s3 =	simm.s32 $0x108;
	s8 =	sld [smem:$0x3FB0]  }
0x2e: {  	s3 =	simm.s32 @!p0 $0x1082;
	s9 =	sld [smem:$0x3FB1]  }
0x2f: {  	lr =	sadd.s32 s0, s3;
	s0 =	sld [smem:$0x3FA8]  }
0x30: {  	s3 =	sld [smem:$0x3FAB]  }
0x31: {  	[smem:$0x3FB4] =	sst s10  }
0x32: {  	s10 =	sld [smem:$0x3FB2];
	_ =	sdelay $0x3  }
0x33: {  	p0 =	seq.s32 s10, $0x1;
	s10 =	sld [smem:$0x3FB4];
	_ =	sdelay $0x3  }
0x34: {  	[smem:$0x3FB4] =	sst s10  }
0x35: {  	s10 =	sld [smem:$0x3FB3];
	_ =	sdelay $0x3  }
0x36: {  	p1 =	seq.s32 s10, $0x1;
	s10 =	sld [smem:$0x3FB4];
	_ =	sdelay $0x3  }
0x37: {  	[smem:$0x3FB4] =	sst s10  }
0x38: {  	s10 =	sld [smem:$0x3FB5]  }
0x39: {  	_ = 	snop;
	(pc) =	sbr.ind lr, $3  }
0x3a: {  	_ = 	snop  }
0x3b: {  	_ = 	snop  }
0x3c: {  	p2 =	seq.s32 s10, $0x1;
	s10 =	sld [smem:$0x3FB4]  }
0x3d: {  	_ =	shalt  }
0x3e: {  	_ =	shalt  }
0x3f: {  	_ =	shalt  }
0x40: {  	_ =	shalt  }
0x41: {  	_ =	shalt  }
0x42: {  	_ =	shalt  }
0x43: {  	_ =	shalt  }
0x44: {  	_ =	shalt  }
0x45: {  	_ =	shalt  }
0x46: {  	_ =	shalt  }
0x47: {  	_ =	shalt  }
0x48: {  	_ =	shalt  }
0x49: {  	_ =	shalt  }
0x4a: {  	_ =	shalt  }
0x4b: {  	_ =	shalt  }
0x4c: {  	_ =	shalt  }
0x4d: {  	_ =	shalt  }
0x4e: {  	_ =	shalt  }
0x4f: {  	_ =	shalt  }
0x50: {  	_ =	shalt  }
0x51: {  	_ =	shalt  }
0x52: {  	_ =	shalt  }
0x53: {  	_ =	shalt  }
0x54: {  	_ =	shalt  }
0x55: {  	_ =	shalt  }
0x56: {  	_ =	shalt  }
0x57: {  	_ =	shalt  }
0x58: {  	_ =	shalt  }
0x59: {  	_ =	shalt  }
0x5a: {  	_ =	shalt  }
0x5b: {  	_ =	shalt  }
0x5c: {  	_ =	shalt  }
0x5d: {  	_ =	shalt  }
0x5e: {  	_ =	shalt  }
0x5f: {  	_ =	shalt  }
0x60: {  	_ =	shalt  }
0x61: {  	_ =	shalt  }
0x62: {  	_ =	shalt  }
0x63: {  	_ =	shalt  }
0x64: {  	_ =	shalt  }
0x65: {  	_ =	shalt  }
0x66: {  	_ =	shalt  }
0x67: {  	_ =	shalt  }
0x68: {  	_ =	shalt  }
0x69: {  	_ =	shalt  }
0x6a: {  	_ =	shalt  }
0x6b: {  	_ =	shalt  }
0x6c: {  	_ =	shalt  }
0x6d: {  	_ =	shalt  }
0x6e: {  	_ =	shalt  }
0x6f: {  	_ =	shalt  }
0x70: {  	_ =	shalt  }
0x71: {  	_ =	shalt  }
0x72: {  	_ =	shalt  }
0x73: {  	_ =	shalt  }
0x74: {  	_ =	shalt  }
0x75: {  	_ =	shalt  }
0x76: {  	_ =	shalt  }
0x77: {  	_ =	shalt  }
0x78: {  	_ =	shalt  }
0x79: {  	_ =	shalt  }
0x7a: {  	_ =	shalt  }
0x7b: {  	_ =	shalt  }
0x7c: {  	_ =	shalt  }
0x7d: {  	_ =	shalt  }
0x7e: {  	_ =	shalt  }
0x7f: {  	_ =	shalt  }
0x80: {  	_ =	shalt  }
0x81: {  	_ =	shalt  }
0x82: {  	_ =	shalt  }
0x83: {  	_ =	shalt  }
0x84: {  	_ =	shalt  }
0x85: {  	_ =	shalt  }
0x86: {  	_ =	shalt  }
0x87: {  	_ =	shalt  }
.Lfunc_end0:
.L_simem_size_0:
called_computation_lowered:
.L_overlay_start_0:
0x88: {  	s2 =	sld [smem:$0x3FD9]  }
0x89: {  	s3 =	sld [smem:$0x3FFE];
	_ =	sdelay $0x1  }
0x8a: {  	s1 =	srdreg.scid  }
0x8b: {  	s0 =	sand.u32 $0x1, s1  }
0x8c: {  	s16 =	sshll.u32 s0, $0xA;
	s2 =	sadd.s32 s3, s2  }
0x8d: {  	s2 =	sadd.s32 s2, s16  }
0x8e: {  	[smem:$0x3FC0] =	sst s2  }
0x8f: {  	_ = 	snop  }
0x90: {  	(tm) =	ssettm $0x1  }
0x91: {  	s17 =	sld [smem:$0x3FFB];
	_ =	sdelay $0x3  }
0x92: {  	_ =	strace s17  }
0x93: {  	s2 =	sld [smem:$0x3FFC];
	_ =	sdelay $0x3  }
0x94: {  	_ =	strace s2  }
0x95: {  	s2 =	sld [smem:$0x3FFD];
	_ =	sdelay $0x3  }
0x96: {  	_ =	strace s2  }
0x97: {  	_ =	strace $0x8FFFFFFF  }
0x98: {  	s18 =	sld [smem:$0x3FDB];
	_ =	sdelay $0x1  }
0x99: {  	s19 =	simm.s32 $_scs_section_size  }
0x9a: {  	s4 =	simm.s32 $_size__tile_overlayer_lowered;
	s5 =	simm.s32 $_tile_overlayer_lowered  }
0x9b: {  	s22 =	simm.s32 $0x1BFF;
	s21 =	sshll.u32 s5, $0x1;
	s2 =	sadd.s32 s19, s18  }
0x9c: {  	s6 =	simm.s32 $0x0;
	s20 =	sshll.u32 s4, $0x1;
	s4 =	sadd.s32 s21, s2  }
0x9d: {  	[timem:s6], [sflag:s22] =	dma.local [hbm:s4], s20  }
0x9e: {  	_ =	swait.ge [sflag:s22], s20  }
0x9f: {  	s3 =	ssub.s32 $0x0, s20;
	[sflag:s22] =	ssyncset.done $0x0  }
0xa0: {  	[sflag:s22] =	ssyncadd.s32 s3;
	_ =	sdelay $0x1  }
0xa1: {  	s23 =	simm.s32 $0x1B8B  }
0xa2: {  	_ =	swait.ge [sflag:s23], $0x1  }
0xa3: {  	[sflag:s23] =	ssyncset.done $0x0  }
0xa4: {  	s25 =	simm.s32 $0x1B8E;
	s24 =	sld [smem:$0x3FFE];
	[sflag:s23] =	ssyncadd.s32 $0xFFFFFFFF  }
0xa5: {  	s26 =	simm.s32 $execute0_lowered;
	[smem:$0x3FD2] =	sst s25  }
0xa6: {  	s4 =	sshll.u32 s26, $0x1;
	_ =	strace $0x80000046;
	[dreg:$0x1] =	wrdreg $0xFFFFFFFF  }
0xa7: {  	s28 =	simm.s32 $_size_execute0_lowered;
	s2 =	sadd.s32 s2, s4;
	[dreg:$0x0] =	wrdreg $0x0  }
0xa8: {  	s4 =	sshll.u32 s28, $0x1;
	[dreg:$0x2] =	wrdreg s2  }
0xa9: {  	[dreg:$0x3] =	wrdreg s4  }
0xaa: {  	[dreg:$0x4] =	wrdreg $0xC0  }
0xab: {  	_ =	task [dreg:s6], $0x5FFFF  }
0xac: {  	[dreg:$0x1] =	wrdreg $0xFFFFFFFF  }
0xad: {  	[dreg:$0x0] =	wrdreg $0x60  }
0xae: {  	[dreg:$0x2] =	wrdreg s24  }
0xaf: {  	[dreg:$0x3] =	wrdreg $0x9  }
0xb0: {  	_ =	task.clear_ibuf [dreg:s6], $0x4FFFF;
	_ =	strace $0x90000046  }
0xb1: {  	s29 =	simm.s32 $0x9;
	_ =	strace $0x80000048  }
0xb2: {  	_ =	swait.ge [sflag:s29], $0x1  }
0xb3: {  	[sflag:s29] =	ssyncadd.s32 $0xFFFFFFFF  }
0xb4: {  	_ =	strace $0x90000048  }
0xb5: {  	_ =	sfence  }
0xb6: {  	s30 =	sld [smem:$0x0];
	_ =	sdelay $0x2  }
0xb7: {  	s31 =	sshll.u32 s1, $0xD;
	s1 =	sshrl.u32 s1, $0x2  }
0xb8: {  	s3 =	sand.u32 $0x4000, s31;
	s1 =	sadd.s32 s1, s30  }
0xb9: {  	s0 =	sor.u32 s3, s0;
	s1 =	sshll.u32 s1, $0x11  }
0xba: {  	s0 =	sor.u32 s1, s0  }
0xbb: {  	s0 =	sadd.s32 $0x8F2B, s0  }
0xbc: {  	[sflag:s0] =	ssyncadd.remote.s32 $0x1  }
0xbd: {  	_ =	sfence.sel $0xFFFF  }
0xbe: {  	[dreg:$0x0] =	wrdreg $0xFFFFFFFF;
	(pc) =	sbr.abs _section_cstart, $3  }
0xbf: {  	[dreg:$0x1] =	wrdreg $0xFFFFFFFF  }
0xc0: {  	_ =	task.clear_ibuf [dreg:s6], $0x2FFFF;
	_ =	strace $0x9FFFFFFF  }
0xc1: {  	(tm) =	ssettm $0x7FFFFFFF  }
tec
execute0_lowered:
.L_overlay_start_1:
0x0: {  	(tag) =	ssettag $0x1  }
0x1: {  	s0 =	srdreg.scid  }
0x2: {  	s4 =	rddreg [dreg:$0x0];
	s1 =	stileid.u32;
	s10 =	simm.s32 $0x1400  }
0x3: {  	s11 =	simm.s32 $0x2800;
	s12 =	simm.s32 $0x80;
	s3 =	sand.u32 $0x1, s0  }
0x4: {  	s13 =	simm.s32 $0x400;
	s14 =	simm.s32 $0x0;
	s2 =	sshll.u32 s3, $0x4  }
0x5: {  	s0 =	rddreg [dreg:$0x1];
	s8 =	sshll.u32 s1, $0x7;
	s5 =	sor.u32 s1, s2  }
0x6: {  	s8 =	sand.u32 $0x380, s8;
	s3 =	ssub.s32 $0x2, s3;
	s6 =	smul.u32 $0x1388, s5  }
0x7: {  	s2 =	simm.s32 $0x0;
	s7 =	sshrl.u32 s5, $0x3;
	s5 =	smul.u32 $0x280, s5  }
0x8: {  	s31 =	sshrl.u32 s3, $0x1;
	[smem:$0x7FF] =	sst s2;
	s7 =	smul.u32 $0x14000, s7  }
0x9: {  	_ =	strace $0x80000047;
	s6 =	sshrl.u32 s6, $0x3;
	s9 =	sadd.s32 s5, s4  }
0xa: {  	s7 =	sor.u32 s8, s7;
	s6 =	sadd.s32 s6, s4;
	s8 =	ssub.s32 s3, s31  }
0xb: {  	s5 =	sadd.s32 $0x16E00, s9;
	s7 =	sshrl.u32 s7, $0x3;
	s3 =	sadd.s32 $0x3000, s6  }
0xc: {  	s8 =	smax.u32 s8, $0x1;
	s7 =	sadd.s32 s7, s4;
	s4 =	sadd.s32 $0x7E20, s6  }
0xd: {  	v0 =	vimm.f32 $0.0e+00;
	v1 =	vimm.s32 $0x0;
	v2 =	vimm.f32 $1.000000000e+00;
	s6 =	sadd.s32 $0x1BE00, s9;
	s9 =	simm.s32 $0x1;
	s7 =	sadd.s32 $0xCE00, s7  }
.LBB2_1:
0xe: {  	s15 =	simm.s32 $0x40;
	s16 =	simm.s32 $0x0  }
.LBB2_2:
0xf: {  	p0 =	sne.s32 s15, $0x9FC0;
	[tilespmem:s16+$0x2800] =	vst v0;
	s16 =	smov.u32 s15;
	s15 =	sadd.s32 $0x40, s15  }
.Ltmp0:
0x10: {  	(pc) =	sbr.rel @p0 .LBB2_2-.Ltmp0, $2  }
0x11: {  	_ =	sdelay $0x2  }
0x12: {  	s16 =	sshra.s32 s16, $0x2  }
0x13: {  	[tilespmem:s16+$0x2800] =	vst v0;
	s15 =	simm.s32 $0x0  }
0x14: {  	[tilespmem:s15], [sflag:$0x1] =	stream.linear.gather [hbm4b:s3+s15], $0x1388, $0x38;
	[tilespmem:$0x5000] =	vst v63  }
0x15: {  	_ =	swait.ge [sflag:s9], $0x1388  }
0x16: {  	[sflag:s9] =	ssyncset.done $0x0  }
0x17: {  	[sflag:s9] =	ssyncadd.s32 $0xFFFFEC78  }
0x18: {  	[tilespmem:s10], [sflag:$0x1] =	stream.linear.gather [hbm4b:s4+s15], $0x1388, $0x38;
	[tilespmem:$0x5000] =	vst v63  }
0x19: {  	_ =	swait.ge [sflag:s9], $0x1388  }
0x1a: {  	[sflag:s9] =	ssyncset.done $0x0  }
0x1b: {  	[sflag:s9] =	ssyncadd.s32 $0xFFFFEC78  }
0x1c: {  	[tilespmem:$0x1388] =	vst v1  }
0x1d: {  	[tilespmem:$0x2788] =	vst v1  }
0x1e: {  	[tilespmem:$0x1398] =	vst v1  }
0x1f: {  	[tilespmem:$0x2798] =	vst v1  }
0x20: {  	[tilespmem:$0x13A8] =	vst v1  }
0x21: {  	[tilespmem:$0x27A8] =	vst v1  }
0x22: {  	[tilespmem:$0x13B8] =	vst v1  }
0x23: {  	[tilespmem:$0x27B8] =	vst v1  }
0x24: {  	[tilespmem:$0x13C8] =	vst v1  }
0x25: {  	[tilespmem:$0x27C8] =	vst v1  }
0x26: {  	[tilespmem:$0x13D8] =	vst v1  }
0x27: {  	[tilespmem:$0x27D8] =	vst v1  }
0x28: {  	[tilespmem:$0x13E8] =	vst v1  }
0x29: {  	[tilespmem:$0x27E8] =	vst v1  }
0x2a: {  	[tilespmem:$0x13F0] =	vst v1  }
0x2b: {  	s15 =	simm.s32 $0x0;
	[tilespmem:$0x27F0] =	vst v1  }
0x2c: {  	s16 =	simm.s32 $0x40;
	v3 =	vld [tilespmem:s15+$0x1400]  }
.LBB2_4:
0x2d: {  	p0 =	sne.s32 s16, $0x4FC0;
	v4 =	vld [tilespmem:s15+$0x0];
	_ =	sdelay $0x4  }
0x2e: {  	vm0 =	veq.s32 v4, v3  }
0x2f: {  	v4 =	vsel vm0, $0x27FF, v4;
	_ =	sdelay $0x1  }
.Ltmp1:
0x30: {  	(pc) =	sbr.rel @p0 .LBB2_4-.Ltmp1, $4  }
0x31: {  	v3 =	vsel vm0, $0x2710, v3  }
0x32: {  	[tilespmem:s15+$0x1400] =	vst v3  }
0x33: {  	s15 =	sshra.s32 s16, $0x2;
	[tilespmem:v4+s11+$0x0] =	vst.idx.add.f32.msk $0xffff, v2  }
0x34: {  	s16 =	sadd.s32 $0x40, s16;
	v3 =	vld [tilespmem:s15+$0x1400]  }
0x35: {  	v4 =	vld [tilespmem:s15+$0x0];
	_ =	sdelay $0x4  }
0x36: {  	vm0 =	veq.s32 v4, v3  }
0x37: {  	v4 =	vsel vm0, $0x27FF, v4;
	_ =	sdelay $0x2  }
0x38: {  	v3 =	vsel vm0, $0x2710, v3  }
0x39: {  	[tilespmem:s15+$0x1400] =	vst v3  }
0x3a: {  	[tilespmem:v4+s11+$0x0] =	vst.idx.add.f32.msk $0xffff, v2  }
0x3b: {  	[hbm4b:s5+s2] =	stream.linear.scatter [tilespmem:s2], [sflag:$0x1], $0x1400, $0x38;
	[tilespmem:$0x5000] =	vst v63  }
0x3c: {  	_ =	swait.ge [sflag:s9], $0x1400  }
0x3d: {  	[sflag:s9] =	ssyncset.done $0x0  }
0x3e: {  	[sflag:s9] =	ssyncadd.s32 $0xFFFFEC00  }
0x3f: {  	[hbm4b:s6+s2] =	stream.linear.scatter [tilespmem:s10], [sflag:$0x1], $0x1400, $0x38;
	[tilespmem:$0x5000] =	vst v63  }
0x40: {  	s14 =	sadd.s32 $0x1, s14;
	_ =	swait.ge [sflag:s9], $0x1400  }
0x41: {  	p0 =	sne.s32 s14, s8;
	[sflag:s9] =	ssyncset.done $0x0  }
.Ltmp2:
0x42: {  	[sflag:s9] =	ssyncadd.s32 $0xFFFFEC00;
	(pc) =	sbr.rel @p0 .LBB2_1-.Ltmp2, $4  }
0x43: {  	[hbm4b:s7+s12] =	stream.strided.scatter [tilespmem:s11], [sflag:$0x1], $0x2800, s13, s12, $0x38;
	[tilespmem:$0x5000] =	vst v63  }
0x44: {  	_ =	swait.ge [sflag:s9], $0x2800  }
0x45: {  	[sflag:s9] =	ssyncset.done $0x0  }
0x46: {  	[sflag:s9] =	ssyncadd.s32 $0xFFFFD800  }
0x47: {  	_ =	sfence.sel $0x180000  }
0x48: {  	[bflag:$0x0] =	sbarrier.arrive $0xFFFF  }
0x49: {  	p0 =	sne.s32 s1, $0x0;
	_ =	strace $0x90000047  }
0x4a: {  	s0 =	sadd.s32 @!p0 $0x100000, s0;
	[bflag:$0x2] =	sbarrier.arrive $0xFFFF  }
0x4b: {  	[sflag:s0] =	ssyncadd.tile.s32 @!p0 $0x1;
	_ =	shalt  }
.Lfunc_end2:
_tile_overlayer_lowered:
.L_overlay_start_2:
0x4c: {  	(tag) =	ssettag $0x2  }
0x4d: {  	s0 =	rddreg [dreg:$0x0];
	s2 =	stileid.u32  }
0x4e: {  	s1 =	rddreg [dreg:$0x1];
	p0 =	sne.s32 s2, $0x0  }
0x4f: {  	s3 =	rddreg [dreg:$0x2];
	[bflag:$0x3] =	sbarrier.arrive $0xFFFF;
	s2 =	simm.s32 @!p0 $0x1C01  }
0x50: {  	[timem:s3], [sflag:s2] =	dma.local @!p0 [hbm:s0], s1  }
0x51: {  	s0 =	simm.s32 @!p0 $0x1  }
0x52: {  	_ =	swait.ge @!p0 [sflag:s0], s1  }
0x53: {  	s1 =	ssub.s32 @!p0 $0x0, s1;
	[sflag:s0] =	ssyncset.done @!p0 $0x0  }
0x54: {  	[sflag:s0] =	ssyncadd.s32 @!p0 s1  }
0x55: {  	[bflag:$0x3] =	sbarrier.arrive $0xFFFF  }
0x56: {  	_ =	shalt  }

</sc_bundles>
